<compile_context>
chip_gen: v7x
topology: tpu7x:2x2x1
jax: 0.10.2.dev20260603
libtpu: 0.0.44.dev20260713+nightly
codegen_flags: <defaults>
</compile_context>

<pallas_src>
import functools

import jax
import jax.numpy as jnp
import numpy as np
from jax import lax
from jax.experimental import pallas as pl
from jax.experimental.pallas import tpu as pltpu
from jax.experimental.pallas import tpu_sc as plsc

B = 16384
D = 13
S = 26
V = 100000
E = 32
NI = S + 1


_NW = 32
_RPW = B * S // _NW
_C = 128
_NCH = _RPW // _C
_NB = 4


def _sc_gather(tbl_flat, idx_flat):
    mesh = plsc.VectorSubcoreMesh(core_axis_name="c", subcore_axis_name="s")

    @functools.partial(
        pl.kernel,
        mesh=mesh,
        out_type=jax.ShapeDtypeStruct((B * S, E), jnp.float32),
        compiler_params=pltpu.CompilerParams(use_tc_tiling_on_sc=False),
    scratch_types=[
            pltpu.VMEM((_NB, _C), jnp.int32),
            pltpu.VMEM((_NB, _C, E), jnp.float32),
            pltpu.SemaphoreType.DMA((_NB,)),
            pltpu.SemaphoreType.DMA((_NB,)),
            pltpu.SemaphoreType.DMA((_NB,)),
        ],
    )
    def k(tbl, idx, out, idxb, rows, si, sg, sw):
        wid = lax.axis_index("s") * 2 + lax.axis_index("c")
        r0 = wid * _RPW

        def fire_idx(c, s):
            pltpu.async_copy(
                idx.at[pl.ds(r0 + c * _C, _C)], idxb.at[s], si.at[s])

        def wait_idx(s):
            pltpu.make_async_copy(
                idx.at[pl.ds(0, _C)], idxb.at[s], si.at[s]).wait()

        def fire_gather(s):
            pltpu.async_copy(tbl.at[idxb.at[s]], rows.at[s], sg.at[s])

        def wait_gather(s):
            pltpu.make_async_copy(
                tbl.at[pl.ds(0, _C)], rows.at[s], sg.at[s]).wait()

        def fire_wb(c, s):
            pltpu.async_copy(
                rows.at[s], out.at[pl.ds(r0 + c * _C, _C)], sw.at[s])

        def wait_wb(s):
            pltpu.make_async_copy(
                rows.at[s], out.at[pl.ds(0, _C)], sw.at[s]).wait()

        for j in range(_NB):
            fire_idx(j, j)
        wait_idx(0)
        fire_gather(0)

        def body(c, carry):
            s = lax.rem(c, _NB)
            sn = lax.rem(c + 1, _NB)

            @pl.when(c + 1 < _NCH)
            def _():
                wait_idx(sn)

                @pl.when(c + 1 >= _NB)
                def _():
                    wait_wb(sn)

                fire_gather(sn)

            wait_gather(s)
            fire_wb(c, s)

            @pl.when(c + _NB < _NCH)
            def _():
                fire_idx(c + _NB, s)

            return carry

        lax.fori_loop(0, _NCH, body, 0, unroll=False)
        for j in range(_NB):
            wait_wb(j)

    return k(tbl_flat, idx_flat)



_BB = 512


def _tc_body(dense_ref, sp_ref, wb0, bb0, wb1, bb1, wb2, bb2,
             w0d, w0z, bt0, wt1, bt1, wt2, bt2, out_ref):
    f32 = jnp.float32
    x = dense_ref[...].astype(jnp.bfloat16)
    h = jnp.maximum(jnp.dot(x, wb0[...], preferred_element_type=f32)
                    + bb0[...], 0.0)
    h = jnp.maximum(jnp.dot(h.astype(jnp.bfloat16), wb1[...],
                            preferred_element_type=f32) + bb1[...], 0.0)
    de = (jnp.dot(h.astype(jnp.bfloat16), wb2[...],
                  preferred_element_type=f32) + bb2[...])
    sp3 = sp_ref[...].reshape(_BB, S, E)
    t3 = jnp.concatenate([de.reshape(_BB, 1, E).astype(jnp.bfloat16),
                          sp3.astype(jnp.bfloat16)], axis=1)
    z3 = lax.dot_general(t3, t3, (((2,), (2,)), ((0,), (0,))),
                         preferred_element_type=f32)
    zf = z3.reshape(_BB, NI * NI)
    t0 = (jnp.dot(de.astype(jnp.bfloat16), w0d[...],
                  preferred_element_type=f32)
          + jnp.dot(zf.astype(jnp.bfloat16), w0z[...],
                    preferred_element_type=f32) + bt0[...])
    t0 = jnp.maximum(t0, 0.0)
    t1 = jnp.maximum(jnp.dot(t0.astype(jnp.bfloat16), wt1[...],
                             preferred_element_type=f32) + bt1[...], 0.0)
    o = jnp.dot(t1.astype(jnp.bfloat16), wt2[...],
                preferred_element_type=f32) + bt2[...]
    out_ref[...] = jax.nn.sigmoid(o)


def _tc_forward(dense_x, sparse_emb, wb0, bb0, wb1, bb1, wb2, bb2,
                w0d, w0z, bt0, wt1, bt1, wt2, bt2):
    n_blk = B // _BB
    full = lambda s: pl.BlockSpec(s, lambda i: (0,) * len(s))
    grid_spec = pl.GridSpec(
        grid=(n_blk,),
        in_specs=[
            pl.BlockSpec((_BB, D), lambda i: (i, 0)),
            pl.BlockSpec((_BB * S, E), lambda i: (i, 0)),
            full(wb0.shape), full(bb0.shape), full(wb1.shape),
            full(bb1.shape), full(wb2.shape), full(bb2.shape),
            full(w0d.shape), full(w0z.shape), full(bt0.shape),
            full(wt1.shape), full(bt1.shape), full(wt2.shape),
            full(bt2.shape),
        ],
        out_specs=pl.BlockSpec((_BB, 1), lambda i: (i, 0)),
    )
    return pl.pallas_call(
        _tc_body,
        grid_spec=grid_spec,
        out_shape=jax.ShapeDtypeStruct((B, 1), jnp.float32),
    )(dense_x, sparse_emb, wb0, bb0, wb1, bb1, wb2, bb2,
      w0d, w0z, bt0, wt1, bt1, wt2, bt2)


def kernel(dense_x, sparse_x, emb_tables, Wb0, bb0, Wb1, bb1, Wb2, bb2,
           Wt0, bt0, Wt1, bt1, Wt2, bt2):
    bf16 = jnp.bfloat16
    offs = (jnp.arange(S, dtype=jnp.int32) * V)[None, :]
    idx_flat = (sparse_x.astype(jnp.int32) + offs).reshape(B * S)
    sparse_emb = _sc_gather(emb_tables.reshape(S * V, E), idx_flat)

    li, lj = np.tril_indices(NI, -1)
    P = np.zeros((NI * NI, len(li)), np.float32)
    P[li * NI + lj, np.arange(len(li))] = 1.0
    w0z = jnp.dot(jnp.asarray(P), Wt0[E:])
    w0d = Wt0[:E]

    return _tc_forward(
        dense_x, sparse_emb,
        Wb0.astype(bf16), bb0, Wb1.astype(bf16), bb1, Wb2.astype(bf16), bb2,
        w0d.astype(bf16), w0z.astype(bf16), bt0,
        Wt1.astype(bf16), bt1, Wt2.astype(bf16), bt2)

# --- scband reference (transcript-rebuilt; emitter-appended) ---
"""Pipeline reference for scband-dlrm-15487652069874 (READ-ONLY COPY).

The authoritative reference and input builder live on the scoring server;
editing this copy changes nothing except your own understanding.
"""

import jax, jax.numpy as jnp
import numpy as np

B = 16384
D = 13
S = 26
V = 100000
E = 32
BOT = [512, 256]
TOP = [512, 256]


def _xavier(key, shape):
    fan_in, fan_out = shape[0], shape[1]
    std = jnp.sqrt(2.0 / (fan_in + fan_out))
    return jax.random.normal(key, shape, jnp.float32) * std


def setup_inputs(seed: int = 0):
    key = jax.random.key(seed)
    ks = jax.random.split(key, 20)
    dense_x = jax.random.normal(ks[0], (B, D), jnp.float32)
    sparse_x = jax.random.randint(ks[1], (B, S), 0, V)
    emb_tables = jax.random.normal(ks[2], (S, V, E), jnp.float32) * 0.01
    # bottom MLP: D -> 512 -> 256 -> E
    Wb0 = _xavier(ks[3], (D, BOT[0])); bb0 = jnp.zeros((BOT[0],), jnp.float32)
    Wb1 = _xavier(ks[4], (BOT[0], BOT[1])); bb1 = jnp.zeros((BOT[1],), jnp.float32)
    Wb2 = _xavier(ks[5], (BOT[1], E)); bb2 = jnp.zeros((E,), jnp.float32)
    # interaction features: lower-tri of (S+1)x(S+1) = 351, plus dense_emb E -> 383
    n_int = (S + 1) * S // 2
    top_in_dim = E + n_int
    Wt0 = _xavier(ks[6], (top_in_dim, TOP[0])); bt0 = jnp.zeros((TOP[0],), jnp.float32)
    Wt1 = _xavier(ks[7], (TOP[0], TOP[1])); bt1 = jnp.zeros((TOP[1],), jnp.float32)
    Wt2 = _xavier(ks[8], (TOP[1], 1)); bt2 = jnp.zeros((1,), jnp.float32)
    return {"dense_x": dense_x, "sparse_x": sparse_x, "emb_tables": emb_tables,
            "Wb0": Wb0, "bb0": bb0, "Wb1": Wb1, "bb1": bb1, "Wb2": Wb2, "bb2": bb2,
            "Wt0": Wt0, "bt0": bt0, "Wt1": Wt1, "bt1": bt1, "Wt2": Wt2, "bt2": bt2}


def reference(dense_x, sparse_x, emb_tables, Wb0, bb0, Wb1, bb1, Wb2, bb2, Wt0, bt0, Wt1, bt1, Wt2, bt2):
    # bottom MLP (relu on hidden layers, linear final per flax MLP)
    h = jax.nn.relu(dense_x @ Wb0 + bb0)
    h = jax.nn.relu(h @ Wb1 + bb1)
    dense_emb = h @ Wb2 + bb2  # [B, E]
    # embedding lookup: per-field gather
    sparse_emb = emb_tables[jnp.arange(S)[None, :], sparse_x]  # [B, S, E]
    # dot interaction
    T = jnp.concatenate([dense_emb[:, None, :], sparse_emb], axis=1)  # [B, S+1, E]
    Z = jnp.einsum('bie,bje->bij', T, T)  # [B, S+1, S+1]
    li, lj = jnp.tril_indices(S + 1, -1)
    interactions = Z[:, li, lj]  # [B, 351]
    top_in = jnp.concatenate([dense_emb, interactions], axis=1)
    # top MLP with sigmoid final
    h = jax.nn.relu(top_in @ Wt0 + bt0)
    h = jax.nn.relu(h @ Wt1 + bt1)
    out = jax.nn.sigmoid(h @ Wt2 + bt2)  # [B, 1]
    return out

if __name__ == "__main__":
    import jax
    _d = setup_inputs()
    print(jax.jit(kernel)(*tuple(_d.values())))

</pallas_src>

<mosaic_0001>
#map = affine_map<(d0, d1) -> (0, 0)>
#map1 = affine_map<(d0, d1) -> (0)>
module attributes {stable_mosaic.version = 14 : i64} {
  func.func @k(%arg0: i32, %arg1: i32, %arg2: memref<2600000x32xf32, #tpu.memory_space<hbm>>, %arg3: memref<425984xi32, #tpu.memory_space<hbm>>, %arg4: memref<425984x32xf32, #tpu.memory_space<hbm>>, %arg5: memref<4x128xi32, #tpu.memory_space<vmem>>, %arg6: memref<4x128x32xf32, #tpu.memory_space<vmem>>, %arg7: memref<4x!tpu.dma_semaphore, #tpu.memory_space<semaphore_mem>>, %arg8: memref<4x!tpu.dma_semaphore, #tpu.memory_space<semaphore_mem>>, %arg9: memref<4x!tpu.dma_semaphore, #tpu.memory_space<semaphore_mem>>) attributes {dimension_semantics = [#tpu.dimension_semantics<core_parallel>, #tpu.dimension_semantics<subcore_parallel>], iteration_bounds = array<i64: 2, 16>, scalar_prefetch = 0 : i64, scratch_operands = 5 : i64, tpu.core_type = #tpu.core_type<sc_vector_subcore>, window_params = [{transform_indices = #map}, {transform_indices = #map1}, {transform_indices = #map}]} {
    %mul3A = arith.constant 2 : i32
    %mul3A_0 = arith.muli %arg1, %mul3A : i32
    %add3A = arith.addi %mul3A_0, %arg0 : i32
    %mul3A_1 = arith.constant 13312 : i32
    %mul3A_2 = arith.muli %add3A, %mul3A_1 : i32
    %add3A_3 = arith.constant 0 : i32
    %add3A_4 = arith.addi %mul3A_2, %add3A_3 : i32
    %dma_start3A = arith.constant 0 : i32
    %dma_start3A_5 = arith.constant 0 : i32
    %dma_start3A_6 = arith.constant 0 : i32
    %dma_start3A_7 = tpu.memref_slice %arg5[%dma_start3A, %dma_start3A_6] : memref<4x128xi32, #tpu.memory_space<vmem>> -> memref<1x128xi32, #tpu.memory_space<vmem>>
    %dma_start3A_8 = tpu.memref_squeeze %dma_start3A_7 : memref<1x128xi32, #tpu.memory_space<vmem>> -> memref<128xi32, #tpu.memory_space<vmem>>
    %dma_start3A_9 = tpu.memref_slice %arg3[%add3A_4] : memref<425984xi32, #tpu.memory_space<hbm>> -> memref<128xi32, #tpu.memory_space<hbm>>
    %dma_start3A_10 = tpu.memref_slice %arg7[%dma_start3A_5] : memref<4x!tpu.dma_semaphore, #tpu.memory_space<semaphore_mem>> -> memref<1x!tpu.dma_semaphore, #tpu.memory_space<semaphore_mem>>
    %dma_start3A_11 = tpu.memref_squeeze %dma_start3A_10 : memref<1x!tpu.dma_semaphore, #tpu.memory_space<semaphore_mem>> -> memref<!tpu.dma_semaphore, #tpu.memory_space<semaphore_mem>>
    %dma_start3A_12 = arith.constant 0 : i32
    %dma_start3A_13 = tpu.memref_slice %arg5[%dma_start3A, %dma_start3A_12] : memref<4x128xi32, #tpu.memory_space<vmem>> -> memref<1x128xi32, #tpu.memory_space<vmem>>
    %dma_start3A_14 = tpu.memref_squeeze %dma_start3A_13 : memref<1x128xi32, #tpu.memory_space<vmem>> -> memref<128xi32, #tpu.memory_space<vmem>>
    %dma_start3A_15 = tpu.memref_slice %arg3[%add3A_4] : memref<425984xi32, #tpu.memory_space<hbm>> -> memref<128xi32, #tpu.memory_space<hbm>>
    tpu.enqueue_dma source(%dma_start3A_15 : memref<128xi32, #tpu.memory_space<hbm>>) target(%dma_start3A_14 : memref<128xi32, #tpu.memory_space<vmem>>) target_semaphore(%dma_start3A_11 : memref<!tpu.dma_semaphore, #tpu.memory_space<semaphore_mem>>)
    %add3A_16 = arith.constant 128 : i32
    %add3A_17 = arith.addi %mul3A_2, %add3A_16 : i32
    %dma_start3A_18 = arith.constant 1 : i32
    %dma_start3A_19 = arith.constant 1 : i32
    %dma_start3A_20 = arith.constant 0 : i32
    %dma_start3A_21 = tpu.memref_slice %arg5[%dma_start3A_18, %dma_start3A_20] : memref<4x128xi32, #tpu.memory_space<vmem>> -> memref<1x128xi32, #tpu.memory_space<vmem>>
    %dma_start3A_22 = tpu.memref_squeeze %dma_start3A_21 : memref<1x128xi32, #tpu.memory_space<vmem>> -> memref<128xi32, #tpu.memory_space<vmem>>
    %dma_start3A_23 = tpu.memref_slice %arg3[%add3A_17] : memref<425984xi32, #tpu.memory_space<hbm>> -> memref<128xi32, #tpu.memory_space<hbm>>
    %dma_start3A_24 = tpu.memref_slice %arg7[%dma_start3A_19] : memref<4x!tpu.dma_semaphore, #tpu.memory_space<semaphore_mem>> -> memref<1x!tpu.dma_semaphore, #tpu.memory_space<semaphore_mem>>
    %dma_start3A_25 = tpu.memref_squeeze %dma_start3A_24 : memref<1x!tpu.dma_semaphore, #tpu.memory_space<semaphore_mem>> -> memref<!tpu.dma_semaphore, #tpu.memory_space<semaphore_mem>>
    %dma_start3A_26 = arith.constant 0 : i32
    %dma_start3A_27 = tpu.memref_slice %arg5[%dma_start3A_18, %dma_start3A_26] : memref<4x128xi32, #tpu.memory_space<vmem>> -> memref<1x128xi32, #tpu.memory_space<vmem>>
    %dma_start3A_28 = tpu.memref_squeeze %dma_start3A_27 : memref<1x128xi32, #tpu.memory_space<vmem>> -> memref<128xi32, #tpu.memory_space<vmem>>
    %dma_start3A_29 = tpu.memref_slice %arg3[%add3A_17] : memref<425984xi32, #tpu.memory_space<hbm>> -> memref<128xi32, #tpu.memory_space<hbm>>
    tpu.enqueue_dma source(%dma_start3A_29 : memref<128xi32, #tpu.memory_space<hbm>>) target(%dma_start3A_28 : memref<128xi32, #tpu.memory_space<vmem>>) target_semaphore(%dma_start3A_25 : memref<!tpu.dma_semaphore, #tpu.memory_space<semaphore_mem>>)
    %add3A_30 = arith.constant 256 : i32
    %add3A_31 = arith.addi %mul3A_2, %add3A_30 : i32
    %dma_start3A_32 = arith.constant 2 : i32
    %dma_start3A_33 = arith.constant 2 : i32
    %dma_start3A_34 = arith.constant 0 : i32
    %dma_start3A_35 = tpu.memref_slice %arg5[%dma_start3A_32, %dma_start3A_34] : memref<4x128xi32, #tpu.memory_space<vmem>> -> memref<1x128xi32, #tpu.memory_space<vmem>>
    %dma_start3A_36 = tpu.memref_squeeze %dma_start3A_35 : memref<1x128xi32, #tpu.memory_space<vmem>> -> memref<128xi32, #tpu.memory_space<vmem>>
    %dma_start3A_37 = tpu.memref_slice %arg3[%add3A_31] : memref<425984xi32, #tpu.memory_space<hbm>> -> memref<128xi32, #tpu.memory_space<hbm>>
    %dma_start3A_38 = tpu.memref_slice %arg7[%dma_start3A_33] : memref<4x!tpu.dma_semaphore, #tpu.memory_space<semaphore_mem>> -> memref<1x!tpu.dma_semaphore, #tpu.memory_space<semaphore_mem>>
    %dma_start3A_39 = tpu.memref_squeeze %dma_start3A_38 : memref<1x!tpu.dma_semaphore, #tpu.memory_space<semaphore_mem>> -> memref<!tpu.dma_semaphore, #tpu.memory_space<semaphore_mem>>
    %dma_start3A_40 = arith.constant 0 : i32
    %dma_start3A_41 = tpu.memref_slice %arg5[%dma_start3A_32, %dma_start3A_40] : memref<4x128xi32, #tpu.memory_space<vmem>> -> memref<1x128xi32, #tpu.memory_space<vmem>>
    %dma_start3A_42 = tpu.memref_squeeze %dma_start3A_41 : memref<1x128xi32, #tpu.memory_space<vmem>> -> memref<128xi32, #tpu.memory_space<vmem>>
    %dma_start3A_43 = tpu.memref_slice %arg3[%add3A_31] : memref<425984xi32, #tpu.memory_space<hbm>> -> memref<128xi32, #tpu.memory_space<hbm>>
    tpu.enqueue_dma source(%dma_start3A_43 : memref<128xi32, #tpu.memory_space<hbm>>) target(%dma_start3A_42 : memref<128xi32, #tpu.memory_space<vmem>>) target_semaphore(%dma_start3A_39 : memref<!tpu.dma_semaphore, #tpu.memory_space<semaphore_mem>>)
    %add3A_44 = arith.constant 384 : i32
    %add3A_45 = arith.addi %mul3A_2, %add3A_44 : i32
    %dma_start3A_46 = arith.constant 3 : i32
    %dma_start3A_47 = arith.constant 3 : i32
    %dma_start3A_48 = arith.constant 0 : i32
    %dma_start3A_49 = tpu.memref_slice %arg5[%dma_start3A_46, %dma_start3A_48] : memref<4x128xi32, #tpu.memory_space<vmem>> -> memref<1x128xi32, #tpu.memory_space<vmem>>
    %dma_start3A_50 = tpu.memref_squeeze %dma_start3A_49 : memref<1x128xi32, #tpu.memory_space<vmem>> -> memref<128xi32, #tpu.memory_space<vmem>>
    %dma_start3A_51 = tpu.memref_slice %arg3[%add3A_45] : memref<425984xi32, #tpu.memory_space<hbm>> -> memref<128xi32, #tpu.memory_space<hbm>>
    %dma_start3A_52 = tpu.memref_slice %arg7[%dma_start3A_47] : memref<4x!tpu.dma_semaphore, #tpu.memory_space<semaphore_mem>> -> memref<1x!tpu.dma_semaphore, #tpu.memory_space<semaphore_mem>>
    %dma_start3A_53 = tpu.memref_squeeze %dma_start3A_52 : memref<1x!tpu.dma_semaphore, #tpu.memory_space<semaphore_mem>> -> memref<!tpu.dma_semaphore, #tpu.memory_space<semaphore_mem>>
    %dma_start3A_54 = arith.constant 0 : i32
    %dma_start3A_55 = tpu.memref_slice %arg5[%dma_start3A_46, %dma_start3A_54] : memref<4x128xi32, #tpu.memory_space<vmem>> -> memref<1x128xi32, #tpu.memory_space<vmem>>
    %dma_start3A_56 = tpu.memref_squeeze %dma_start3A_55 : memref<1x128xi32, #tpu.memory_space<vmem>> -> memref<128xi32, #tpu.memory_space<vmem>>
    %dma_start3A_57 = tpu.memref_slice %arg3[%add3A_45] : memref<425984xi32, #tpu.memory_space<hbm>> -> memref<128xi32, #tpu.memory_space<hbm>>
    tpu.enqueue_dma source(%dma_start3A_57 : memref<128xi32, #tpu.memory_space<hbm>>) target(%dma_start3A_56 : memref<128xi32, #tpu.memory_space<vmem>>) target_semaphore(%dma_start3A_53 : memref<!tpu.dma_semaphore, #tpu.memory_space<semaphore_mem>>)
    %dma_wait3A = arith.constant 0 : i32
    %dma_wait3A_58 = arith.constant 0 : i32
    %dma_wait3A_59 = arith.constant 0 : i32
    %dma_wait3A_60 = tpu.memref_slice %arg5[%dma_wait3A, %dma_wait3A_59] : memref<4x128xi32, #tpu.memory_space<vmem>> -> memref<1x128xi32, #tpu.memory_space<vmem>>
    %dma_wait3A_61 = tpu.memref_squeeze %dma_wait3A_60 : memref<1x128xi32, #tpu.memory_space<vmem>> -> memref<128xi32, #tpu.memory_space<vmem>>
    %dma_wait3A_62 = arith.constant 0 : i32
    %dma_wait3A_63 = tpu.memref_slice %arg3[%dma_wait3A_62] : memref<425984xi32, #tpu.memory_space<hbm>> -> memref<128xi32, #tpu.memory_space<hbm>>
    %dma_wait3A_64 = tpu.memref_slice %arg7[%dma_wait3A_58] : memref<4x!tpu.dma_semaphore, #tpu.memory_space<semaphore_mem>> -> memref<1x!tpu.dma_semaphore, #tpu.memory_space<semaphore_mem>>
    %dma_wait3A_65 = tpu.memref_squeeze %dma_wait3A_64 : memref<1x!tpu.dma_semaphore, #tpu.memory_space<semaphore_mem>> -> memref<!tpu.dma_semaphore, #tpu.memory_space<semaphore_mem>>
    %dma_wait3A_66 = arith.constant 0 : i32
    %dma_wait3A_67 = tpu.memref_slice %arg5[%dma_wait3A, %dma_wait3A_66] : memref<4x128xi32, #tpu.memory_space<vmem>> -> memref<1x128xi32, #tpu.memory_space<vmem>>
    %dma_wait3A_68 = tpu.memref_squeeze %dma_wait3A_67 : memref<1x128xi32, #tpu.memory_space<vmem>> -> memref<128xi32, #tpu.memory_space<vmem>>
    %dma_wait3A_69 = arith.constant 0 : i32
    %dma_wait3A_70 = tpu.memref_slice %arg3[%dma_wait3A_69] : memref<425984xi32, #tpu.memory_space<hbm>> -> memref<128xi32, #tpu.memory_space<hbm>>
    tpu.wait_dma2 semaphore(%dma_wait3A_65 : memref<!tpu.dma_semaphore, #tpu.memory_space<semaphore_mem>>) src(%dma_wait3A_70 : memref<128xi32, #tpu.memory_space<hbm>>) dst(%dma_wait3A_68 : memref<128xi32, #tpu.memory_space<vmem>>)
    %dma_start3A_71 = arith.constant 0 : i32
    %dma_start3A_72 = arith.constant 0 : i32
    %dma_start3A_73 = arith.constant 0 : i32
    %dma_start3A_74 = arith.constant 0 : i32
    %dma_start3A_75 = arith.constant 0 : i32
    %dma_start3A_76 = tpu.memref_slice %arg6[%dma_start3A_72, %dma_start3A_74, %dma_start3A_75] : memref<4x128x32xf32, #tpu.memory_space<vmem>> -> memref<1x128x32xf32, #tpu.memory_space<vmem>>
    %dma_start3A_77 = tpu.memref_squeeze %dma_start3A_76 : memref<1x128x32xf32, #tpu.memory_space<vmem>> -> memref<128x32xf32, #tpu.memory_space<vmem>>
    %dma_start3A_78 = arith.constant 0 : i32
    %dma_start3A_79 = tpu.memref_slice %arg5[%dma_start3A_71, %dma_start3A_78] : memref<4x128xi32, #tpu.memory_space<vmem>> -> memref<1x128xi32, #tpu.memory_space<vmem>>
    %dma_start3A_80 = tpu.memref_squeeze %dma_start3A_79 : memref<1x128xi32, #tpu.memory_space<vmem>> -> memref<128xi32, #tpu.memory_space<vmem>>
    %dma_start3A_81 = arith.constant 0 : i32
    %dma_start3A_82 = arith.constant 0 : i32
    %dma_start3A_83 = tpu.memref_slice %arg2[%dma_start3A_81, %dma_start3A_82] : memref<2600000x32xf32, #tpu.memory_space<hbm>> -> memref<2600000x32xf32, #tpu.memory_space<hbm>>
    %dma_start3A_84 = tpu.memref_slice %arg8[%dma_start3A_73] : memref<4x!tpu.dma_semaphore, #tpu.memory_space<semaphore_mem>> -> memref<1x!tpu.dma_semaphore, #tpu.memory_space<semaphore_mem>>
    %dma_start3A_85 = tpu.memref_squeeze %dma_start3A_84 : memref<1x!tpu.dma_semaphore, #tpu.memory_space<semaphore_mem>> -> memref<!tpu.dma_semaphore, #tpu.memory_space<semaphore_mem>>
    tpu.enqueue_indirect_dma source(%dma_start3A_83 : memref<2600000x32xf32, #tpu.memory_space<hbm>>) target(%dma_start3A_77 : memref<128x32xf32, #tpu.memory_space<vmem>>) offsets(%dma_start3A_80 : memref<128xi32, #tpu.memory_space<vmem>>) semaphore(%dma_start3A_85 : memref<!tpu.dma_semaphore, #tpu.memory_space<semaphore_mem>>)
    %scan3A = arith.constant 0 : i32
    %scan3A_86 = arith.constant 0 : i32
    %scan3A_87 = arith.constant 104 : i32
    %scan3A_88 = arith.addi %scan3A_86, %scan3A_87 : i32
    %scan3A_89 = arith.constant 1 : i32
    scf.for %scan3A_163 = %scan3A_86 to %scan3A_88 step %scan3A_89  : i32 {
      %rem3A = arith.constant 4 : i32
      %rem3A_164 = arith.remsi %scan3A_163, %rem3A : i32
      %add3A_165 = arith.constant 1 : i32
      %add3A_166 = arith.addi %scan3A_163, %add3A_165 : i32
      %rem3A_167 = arith.constant 4 : i32
      %rem3A_168 = arith.remsi %add3A_166, %rem3A_167 : i32
      %add3A_169 = arith.constant 1 : i32
      %add3A_170 = arith.addi %scan3A_163, %add3A_169 : i32
      %lt3A = arith.constant 104 : i32
      %lt3A_171 = arith.cmpi slt, %add3A_170, %lt3A : i32
      %convert_element_type3A = arith.extui %lt3A_171 : i1 to i32
      %cond3A = arith.constant 0 : i32
      %cond3A_172 = arith.cmpi ne, %convert_element_type3A, %cond3A : i32
      scf.if %cond3A_172 {
        %dma_wait3A_213 = arith.constant 0 : i32
        %dma_wait3A_214 = tpu.memref_slice %arg5[%rem3A_168, %dma_wait3A_213] : memref<4x128xi32, #tpu.memory_space<vmem>> -> memref<1x128xi32, #tpu.memory_space<vmem>>
        %dma_wait3A_215 = tpu.memref_squeeze %dma_wait3A_214 : memref<1x128xi32, #tpu.memory_space<vmem>> -> memref<128xi32, #tpu.memory_space<vmem>>
        %dma_wait3A_216 = arith.constant 0 : i32
        %dma_wait3A_217 = tpu.memref_slice %arg3[%dma_wait3A_216] : memref<425984xi32, #tpu.memory_space<hbm>> -> memref<128xi32, #tpu.memory_space<hbm>>
        %dma_wait3A_218 = tpu.memref_slice %arg7[%rem3A_168] : memref<4x!tpu.dma_semaphore, #tpu.memory_space<semaphore_mem>> -> memref<1x!tpu.dma_semaphore, #tpu.memory_space<semaphore_mem>>
        %dma_wait3A_219 = tpu.memref_squeeze %dma_wait3A_218 : memref<1x!tpu.dma_semaphore, #tpu.memory_space<semaphore_mem>> -> memref<!tpu.dma_semaphore, #tpu.memory_space<semaphore_mem>>
        %dma_wait3A_220 = arith.constant 0 : i32
        %dma_wait3A_221 = tpu.memref_slice %arg5[%rem3A_168, %dma_wait3A_220] : memref<4x128xi32, #tpu.memory_space<vmem>> -> memref<1x128xi32, #tpu.memory_space<vmem>>
        %dma_wait3A_222 = tpu.memref_squeeze %dma_wait3A_221 : memref<1x128xi32, #tpu.memory_space<vmem>> -> memref<128xi32, #tpu.memory_space<vmem>>
        %dma_wait3A_223 = arith.constant 0 : i32
        %dma_wait3A_224 = tpu.memref_slice %arg3[%dma_wait3A_223] : memref<425984xi32, #tpu.memory_space<hbm>> -> memref<128xi32, #tpu.memory_space<hbm>>
        tpu.wait_dma2 semaphore(%dma_wait3A_219 : memref<!tpu.dma_semaphore, #tpu.memory_space<semaphore_mem>>) src(%dma_wait3A_224 : memref<128xi32, #tpu.memory_space<hbm>>) dst(%dma_wait3A_222 : memref<128xi32, #tpu.memory_space<vmem>>)
        %add3A_225 = arith.constant 1 : i32
        %add3A_226 = arith.addi %scan3A_163, %add3A_225 : i32
        %ge3A = arith.constant 4 : i32
        %ge3A_227 = arith.cmpi sge, %add3A_226, %ge3A : i32
        %convert_element_type3A_228 = arith.extui %ge3A_227 : i1 to i32
        %cond3A_229 = arith.constant 0 : i32
        %cond3A_230 = arith.cmpi ne, %convert_element_type3A_228, %cond3A_229 : i32
        scf.if %cond3A_230 {
          %dma_wait3A_243 = arith.constant 0 : i32
          %dma_wait3A_244 = arith.constant 0 : i32
          %dma_wait3A_245 = tpu.memref_slice %arg6[%rem3A_168, %dma_wait3A_243, %dma_wait3A_244] : memref<4x128x32xf32, #tpu.memory_space<vmem>> -> memref<1x128x32xf32, #tpu.memory_space<vmem>>
          %dma_wait3A_246 = tpu.memref_squeeze %dma_wait3A_245 : memref<1x128x32xf32, #tpu.memory_space<vmem>> -> memref<128x32xf32, #tpu.memory_space<vmem>>
          %dma_wait3A_247 = arith.constant 0 : i32
          %dma_wait3A_248 = arith.constant 0 : i32
          %dma_wait3A_249 = tpu.memref_slice %arg4[%dma_wait3A_247, %dma_wait3A_248] : memref<425984x32xf32, #tpu.memory_space<hbm>> -> memref<128x32xf32, #tpu.memory_space<hbm>>
          %dma_wait3A_250 = tpu.memref_slice %arg9[%rem3A_168] : memref<4x!tpu.dma_semaphore, #tpu.memory_space<semaphore_mem>> -> memref<1x!tpu.dma_semaphore, #tpu.memory_space<semaphore_mem>>
          %dma_wait3A_251 = tpu.memref_squeeze %dma_wait3A_250 : memref<1x!tpu.dma_semaphore, #tpu.memory_space<semaphore_mem>> -> memref<!tpu.dma_semaphore, #tpu.memory_space<semaphore_mem>>
          %dma_wait3A_252 = arith.constant 0 : i32
          %dma_wait3A_253 = arith.constant 0 : i32
          %dma_wait3A_254 = tpu.memref_slice %arg4[%dma_wait3A_252, %dma_wait3A_253] : memref<425984x32xf32, #tpu.memory_space<hbm>> -> memref<128x32xf32, #tpu.memory_space<hbm>>
          %dma_wait3A_255 = arith.constant 0 : i32
          %dma_wait3A_256 = arith.constant 0 : i32
          %dma_wait3A_257 = tpu.memref_slice %arg6[%rem3A_168, %dma_wait3A_255, %dma_wait3A_256] : memref<4x128x32xf32, #tpu.memory_space<vmem>> -> memref<1x128x32xf32, #tpu.memory_space<vmem>>
          %dma_wait3A_258 = tpu.memref_squeeze %dma_wait3A_257 : memref<1x128x32xf32, #tpu.memory_space<vmem>> -> memref<128x32xf32, #tpu.memory_space<vmem>>
          tpu.wait_dma2 semaphore(%dma_wait3A_251 : memref<!tpu.dma_semaphore, #tpu.memory_space<semaphore_mem>>) src(%dma_wait3A_258 : memref<128x32xf32, #tpu.memory_space<vmem>>) dst(%dma_wait3A_254 : memref<128x32xf32, #tpu.memory_space<hbm>>)
        } else {
        }
        %dma_start3A_231 = arith.constant 0 : i32
        %dma_start3A_232 = arith.constant 0 : i32
        %dma_start3A_233 = tpu.memref_slice %arg6[%rem3A_168, %dma_start3A_231, %dma_start3A_232] : memref<4x128x32xf32, #tpu.memory_space<vmem>> -> memref<1x128x32xf32, #tpu.memory_space<vmem>>
        %dma_start3A_234 = tpu.memref_squeeze %dma_start3A_233 : memref<1x128x32xf32, #tpu.memory_space<vmem>> -> memref<128x32xf32, #tpu.memory_space<vmem>>
        %dma_start3A_235 = arith.constant 0 : i32
        %dma_start3A_236 = tpu.memref_slice %arg5[%rem3A_168, %dma_start3A_235] : memref<4x128xi32, #tpu.memory_space<vmem>> -> memref<1x128xi32, #tpu.memory_space<vmem>>
        %dma_start3A_237 = tpu.memref_squeeze %dma_start3A_236 : memref<1x128xi32, #tpu.memory_space<vmem>> -> memref<128xi32, #tpu.memory_space<vmem>>
        %dma_start3A_238 = arith.constant 0 : i32
        %dma_start3A_239 = arith.constant 0 : i32
        %dma_start3A_240 = tpu.memref_slice %arg2[%dma_start3A_238, %dma_start3A_239] : memref<2600000x32xf32, #tpu.memory_space<hbm>> -> memref<2600000x32xf32, #tpu.memory_space<hbm>>
        %dma_start3A_241 = tpu.memref_slice %arg8[%rem3A_168] : memref<4x!tpu.dma_semaphore, #tpu.memory_space<semaphore_mem>> -> memref<1x!tpu.dma_semaphore, #tpu.memory_space<semaphore_mem>>
        %dma_start3A_242 = tpu.memref_squeeze %dma_start3A_241 : memref<1x!tpu.dma_semaphore, #tpu.memory_space<semaphore_mem>> -> memref<!tpu.dma_semaphore, #tpu.memory_space<semaphore_mem>>
        tpu.enqueue_indirect_dma source(%dma_start3A_240 : memref<2600000x32xf32, #tpu.memory_space<hbm>>) target(%dma_start3A_234 : memref<128x32xf32, #tpu.memory_space<vmem>>) offsets(%dma_start3A_237 : memref<128xi32, #tpu.memory_space<vmem>>) semaphore(%dma_start3A_242 : memref<!tpu.dma_semaphore, #tpu.memory_space<semaphore_mem>>)
      } else {
      }
      %dma_wait3A_173 = arith.constant 0 : i32
      %dma_wait3A_174 = arith.constant 0 : i32
      %dma_wait3A_175 = tpu.memref_slice %arg6[%rem3A_164, %dma_wait3A_173, %dma_wait3A_174] : memref<4x128x32xf32, #tpu.memory_space<vmem>> -> memref<1x128x32xf32, #tpu.memory_space<vmem>>
      %dma_wait3A_176 = tpu.memref_squeeze %dma_wait3A_175 : memref<1x128x32xf32, #tpu.memory_space<vmem>> -> memref<128x32xf32, #tpu.memory_space<vmem>>
      %dma_wait3A_177 = arith.constant 0 : i32
      %dma_wait3A_178 = arith.constant 0 : i32
      %dma_wait3A_179 = tpu.memref_slice %arg2[%dma_wait3A_177, %dma_wait3A_178] : memref<2600000x32xf32, #tpu.memory_space<hbm>> -> memref<128x32xf32, #tpu.memory_space<hbm>>
      %dma_wait3A_180 = tpu.memref_slice %arg8[%rem3A_164] : memref<4x!tpu.dma_semaphore, #tpu.memory_space<semaphore_mem>> -> memref<1x!tpu.dma_semaphore, #tpu.memory_space<semaphore_mem>>
      %dma_wait3A_181 = tpu.memref_squeeze %dma_wait3A_180 : memref<1x!tpu.dma_semaphore, #tpu.memory_space<semaphore_mem>> -> memref<!tpu.dma_semaphore, #tpu.memory_space<semaphore_mem>>
      %dma_wait3A_182 = arith.constant 0 : i32
      %dma_wait3A_183 = arith.constant 0 : i32
      %dma_wait3A_184 = tpu.memref_slice %arg6[%rem3A_164, %dma_wait3A_182, %dma_wait3A_183] : memref<4x128x32xf32, #tpu.memory_space<vmem>> -> memref<1x128x32xf32, #tpu.memory_space<vmem>>
      %dma_wait3A_185 = tpu.memref_squeeze %dma_wait3A_184 : memref<1x128x32xf32, #tpu.memory_space<vmem>> -> memref<128x32xf32, #tpu.memory_space<vmem>>
      %dma_wait3A_186 = arith.constant 0 : i32
      %dma_wait3A_187 = arith.constant 0 : i32
      %dma_wait3A_188 = tpu.memref_slice %arg2[%dma_wait3A_186, %dma_wait3A_187] : memref<2600000x32xf32, #tpu.memory_space<hbm>> -> memref<128x32xf32, #tpu.memory_space<hbm>>
      tpu.wait_dma2 semaphore(%dma_wait3A_181 : memref<!tpu.dma_semaphore, #tpu.memory_space<semaphore_mem>>) src(%dma_wait3A_188 : memref<128x32xf32, #tpu.memory_space<hbm>>) dst(%dma_wait3A_185 : memref<128x32xf32, #tpu.memory_space<vmem>>)
      %mul3A_189 = arith.constant 128 : i32
      %mul3A_190 = arith.muli %scan3A_163, %mul3A_189 : i32
      %add3A_191 = arith.addi %mul3A_2, %mul3A_190 : i32
      %dma_start3A_192 = arith.constant 0 : i32
      %dma_start3A_193 = arith.constant 0 : i32
      %dma_start3A_194 = tpu.memref_slice %arg6[%rem3A_164, %dma_start3A_192, %dma_start3A_193] : memref<4x128x32xf32, #tpu.memory_space<vmem>> -> memref<1x128x32xf32, #tpu.memory_space<vmem>>
      %dma_start3A_195 = tpu.memref_squeeze %dma_start3A_194 : memref<1x128x32xf32, #tpu.memory_space<vmem>> -> memref<128x32xf32, #tpu.memory_space<vmem>>
      %dma_start3A_196 = arith.constant 0 : i32
      %dma_start3A_197 = tpu.memref_slice %arg4[%add3A_191, %dma_start3A_196] : memref<425984x32xf32, #tpu.memory_space<hbm>> -> memref<128x32xf32, #tpu.memory_space<hbm>>
      %dma_start3A_198 = tpu.memref_slice %arg9[%rem3A_164] : memref<4x!tpu.dma_semaphore, #tpu.memory_space<semaphore_mem>> -> memref<1x!tpu.dma_semaphore, #tpu.memory_space<semaphore_mem>>
      %dma_start3A_199 = tpu.memref_squeeze %dma_start3A_198 : memref<1x!tpu.dma_semaphore, #tpu.memory_space<semaphore_mem>> -> memref<!tpu.dma_semaphore, #tpu.memory_space<semaphore_mem>>
      %dma_start3A_200 = arith.constant 0 : i32
      %dma_start3A_201 = tpu.memref_slice %arg4[%add3A_191, %dma_start3A_200] : memref<425984x32xf32, #tpu.memory_space<hbm>> -> memref<128x32xf32, #tpu.memory_space<hbm>>
      %dma_start3A_202 = arith.constant 0 : i32
      %dma_start3A_203 = arith.constant 0 : i32
      %dma_start3A_204 = tpu.memref_slice %arg6[%rem3A_164, %dma_start3A_202, %dma_start3A_203] : memref<4x128x32xf32, #tpu.memory_space<vmem>> -> memref<1x128x32xf32, #tpu.memory_space<vmem>>
      %dma_start3A_205 = tpu.memref_squeeze %dma_start3A_204 : memref<1x128x32xf32, #tpu.memory_space<vmem>> -> memref<128x32xf32, #tpu.memory_space<vmem>>
      tpu.enqueue_dma source(%dma_start3A_205 : memref<128x32xf32, #tpu.memory_space<vmem>>) target(%dma_start3A_201 : memref<128x32xf32, #tpu.memory_space<hbm>>) target_semaphore(%dma_start3A_199 : memref<!tpu.dma_semaphore, #tpu.memory_space<semaphore_mem>>)
      %add3A_206 = arith.constant 4 : i32
      %add3A_207 = arith.addi %scan3A_163, %add3A_206 : i32
      %lt3A_208 = arith.constant 104 : i32
      %lt3A_209 = arith.cmpi slt, %add3A_207, %lt3A_208 : i32
      %convert_element_type3A_210 = arith.extui %lt3A_209 : i1 to i32
      %cond3A_211 = arith.constant 0 : i32
      %cond3A_212 = arith.cmpi ne, %convert_element_type3A_210, %cond3A_211 : i32
      scf.if %cond3A_212 {
        %add3A_213 = arith.constant 4 : i32
        %add3A_214 = arith.addi %scan3A_163, %add3A_213 : i32
        %mul3A_215 = arith.constant 128 : i32
        %mul3A_216 = arith.muli %add3A_214, %mul3A_215 : i32
        %add3A_217 = arith.addi %mul3A_2, %mul3A_216 : i32
        %dma_start3A_218 = arith.constant 0 : i32
        %dma_start3A_219 = tpu.memref_slice %arg5[%rem3A_164, %dma_start3A_218] : memref<4x128xi32, #tpu.memory_space<vmem>> -> memref<1x128xi32, #tpu.memory_space<vmem>>
        %dma_start3A_220 = tpu.memref_squeeze %dma_start3A_219 : memref<1x128xi32, #tpu.memory_space<vmem>> -> memref<128xi32, #tpu.memory_space<vmem>>
        %dma_start3A_221 = tpu.memref_slice %arg3[%add3A_217] : memref<425984xi32, #tpu.memory_space<hbm>> -> memref<128xi32, #tpu.memory_space<hbm>>
        %dma_start3A_222 = tpu.memref_slice %arg7[%rem3A_164] : memref<4x!tpu.dma_semaphore, #tpu.memory_space<semaphore_mem>> -> memref<1x!tpu.dma_semaphore, #tpu.memory_space<semaphore_mem>>
        %dma_start3A_223 = tpu.memref_squeeze %dma_start3A_222 : memref<1x!tpu.dma_semaphore, #tpu.memory_space<semaphore_mem>> -> memref<!tpu.dma_semaphore, #tpu.memory_space<semaphore_mem>>
        %dma_start3A_224 = arith.constant 0 : i32
        %dma_start3A_225 = tpu.memref_slice %arg5[%rem3A_164, %dma_start3A_224] : memref<4x128xi32, #tpu.memory_space<vmem>> -> memref<1x128xi32, #tpu.memory_space<vmem>>
        %dma_start3A_226 = tpu.memref_squeeze %dma_start3A_225 : memref<1x128xi32, #tpu.memory_space<vmem>> -> memref<128xi32, #tpu.memory_space<vmem>>
        %dma_start3A_227 = tpu.memref_slice %arg3[%add3A_217] : memref<425984xi32, #tpu.memory_space<hbm>> -> memref<128xi32, #tpu.memory_space<hbm>>
        tpu.enqueue_dma source(%dma_start3A_227 : memref<128xi32, #tpu.memory_space<hbm>>) target(%dma_start3A_226 : memref<128xi32, #tpu.memory_space<vmem>>) target_semaphore(%dma_start3A_223 : memref<!tpu.dma_semaphore, #tpu.memory_space<semaphore_mem>>)
      } else {
      }
    }
    %scan3A_90 = arith.constant 104 : i32
    %dma_wait3A_91 = arith.constant 0 : i32
    %dma_wait3A_92 = arith.constant 0 : i32
    %dma_wait3A_93 = arith.constant 0 : i32
    %dma_wait3A_94 = arith.constant 0 : i32
    %dma_wait3A_95 = tpu.memref_slice %arg6[%dma_wait3A_91, %dma_wait3A_93, %dma_wait3A_94] : memref<4x128x32xf32, #tpu.memory_space<vmem>> -> memref<1x128x32xf32, #tpu.memory_space<vmem>>
    %dma_wait3A_96 = tpu.memref_squeeze %dma_wait3A_95 : memref<1x128x32xf32, #tpu.memory_space<vmem>> -> memref<128x32xf32, #tpu.memory_space<vmem>>
    %dma_wait3A_97 = arith.constant 0 : i32
    %dma_wait3A_98 = arith.constant 0 : i32
    %dma_wait3A_99 = tpu.memref_slice %arg4[%dma_wait3A_97, %dma_wait3A_98] : memref<425984x32xf32, #tpu.memory_space<hbm>> -> memref<128x32xf32, #tpu.memory_space<hbm>>
    %dma_wait3A_100 = tpu.memref_slice %arg9[%dma_wait3A_92] : memref<4x!tpu.dma_semaphore, #tpu.memory_space<semaphore_mem>> -> memref<1x!tpu.dma_semaphore, #tpu.memory_space<semaphore_mem>>
    %dma_wait3A_101 = tpu.memref_squeeze %dma_wait3A_100 : memref<1x!tpu.dma_semaphore, #tpu.memory_space<semaphore_mem>> -> memref<!tpu.dma_semaphore, #tpu.memory_space<semaphore_mem>>
    %dma_wait3A_102 = arith.constant 0 : i32
    %dma_wait3A_103 = arith.constant 0 : i32
    %dma_wait3A_104 = tpu.memref_slice %arg4[%dma_wait3A_102, %dma_wait3A_103] : memref<425984x32xf32, #tpu.memory_space<hbm>> -> memref<128x32xf32, #tpu.memory_space<hbm>>
    %dma_wait3A_105 = arith.constant 0 : i32
    %dma_wait3A_106 = arith.constant 0 : i32
    %dma_wait3A_107 = tpu.memref_slice %arg6[%dma_wait3A_91, %dma_wait3A_105, %dma_wait3A_106] : memref<4x128x32xf32, #tpu.memory_space<vmem>> -> memref<1x128x32xf32, #tpu.memory_space<vmem>>
    %dma_wait3A_108 = tpu.memref_squeeze %dma_wait3A_107 : memref<1x128x32xf32, #tpu.memory_space<vmem>> -> memref<128x32xf32, #tpu.memory_space<vmem>>
    tpu.wait_dma2 semaphore(%dma_wait3A_101 : memref<!tpu.dma_semaphore, #tpu.memory_space<semaphore_mem>>) src(%dma_wait3A_108 : memref<128x32xf32, #tpu.memory_space<vmem>>) dst(%dma_wait3A_104 : memref<128x32xf32, #tpu.memory_space<hbm>>)
    %dma_wait3A_109 = arith.constant 1 : i32
    %dma_wait3A_110 = arith.constant 1 : i32
    %dma_wait3A_111 = arith.constant 0 : i32
    %dma_wait3A_112 = arith.constant 0 : i32
    %dma_wait3A_113 = tpu.memref_slice %arg6[%dma_wait3A_109, %dma_wait3A_111, %dma_wait3A_112] : memref<4x128x32xf32, #tpu.memory_space<vmem>> -> memref<1x128x32xf32, #tpu.memory_space<vmem>>
    %dma_wait3A_114 = tpu.memref_squeeze %dma_wait3A_113 : memref<1x128x32xf32, #tpu.memory_space<vmem>> -> memref<128x32xf32, #tpu.memory_space<vmem>>
    %dma_wait3A_115 = arith.constant 0 : i32
    %dma_wait3A_116 = arith.constant 0 : i32
    %dma_wait3A_117 = tpu.memref_slice %arg4[%dma_wait3A_115, %dma_wait3A_116] : memref<425984x32xf32, #tpu.memory_space<hbm>> -> memref<128x32xf32, #tpu.memory_space<hbm>>
    %dma_wait3A_118 = tpu.memref_slice %arg9[%dma_wait3A_110] : memref<4x!tpu.dma_semaphore, #tpu.memory_space<semaphore_mem>> -> memref<1x!tpu.dma_semaphore, #tpu.memory_space<semaphore_mem>>
    %dma_wait3A_119 = tpu.memref_squeeze %dma_wait3A_118 : memref<1x!tpu.dma_semaphore, #tpu.memory_space<semaphore_mem>> -> memref<!tpu.dma_semaphore, #tpu.memory_space<semaphore_mem>>
    %dma_wait3A_120 = arith.constant 0 : i32
    %dma_wait3A_121 = arith.constant 0 : i32
    %dma_wait3A_122 = tpu.memref_slice %arg4[%dma_wait3A_120, %dma_wait3A_121] : memref<425984x32xf32, #tpu.memory_space<hbm>> -> memref<128x32xf32, #tpu.memory_space<hbm>>
    %dma_wait3A_123 = arith.constant 0 : i32
    %dma_wait3A_124 = arith.constant 0 : i32
    %dma_wait3A_125 = tpu.memref_slice %arg6[%dma_wait3A_109, %dma_wait3A_123, %dma_wait3A_124] : memref<4x128x32xf32, #tpu.memory_space<vmem>> -> memref<1x128x32xf32, #tpu.memory_space<vmem>>
    %dma_wait3A_126 = tpu.memref_squeeze %dma_wait3A_125 : memref<1x128x32xf32, #tpu.memory_space<vmem>> -> memref<128x32xf32, #tpu.memory_space<vmem>>
    tpu.wait_dma2 semaphore(%dma_wait3A_119 : memref<!tpu.dma_semaphore, #tpu.memory_space<semaphore_mem>>) src(%dma_wait3A_126 : memref<128x32xf32, #tpu.memory_space<vmem>>) dst(%dma_wait3A_122 : memref<128x32xf32, #tpu.memory_space<hbm>>)
    %dma_wait3A_127 = arith.constant 2 : i32
    %dma_wait3A_128 = arith.constant 2 : i32
    %dma_wait3A_129 = arith.constant 0 : i32
    %dma_wait3A_130 = arith.constant 0 : i32
    %dma_wait3A_131 = tpu.memref_slice %arg6[%dma_wait3A_127, %dma_wait3A_129, %dma_wait3A_130] : memref<4x128x32xf32, #tpu.memory_space<vmem>> -> memref<1x128x32xf32, #tpu.memory_space<vmem>>
    %dma_wait3A_132 = tpu.memref_squeeze %dma_wait3A_131 : memref<1x128x32xf32, #tpu.memory_space<vmem>> -> memref<128x32xf32, #tpu.memory_space<vmem>>
    %dma_wait3A_133 = arith.constant 0 : i32
    %dma_wait3A_134 = arith.constant 0 : i32
    %dma_wait3A_135 = tpu.memref_slice %arg4[%dma_wait3A_133, %dma_wait3A_134] : memref<425984x32xf32, #tpu.memory_space<hbm>> -> memref<128x32xf32, #tpu.memory_space<hbm>>
    %dma_wait3A_136 = tpu.memref_slice %arg9[%dma_wait3A_128] : memref<4x!tpu.dma_semaphore, #tpu.memory_space<semaphore_mem>> -> memref<1x!tpu.dma_semaphore, #tpu.memory_space<semaphore_mem>>
    %dma_wait3A_137 = tpu.memref_squeeze %dma_wait3A_136 : memref<1x!tpu.dma_semaphore, #tpu.memory_space<semaphore_mem>> -> memref<!tpu.dma_semaphore, #tpu.memory_space<semaphore_mem>>
    %dma_wait3A_138 = arith.constant 0 : i32
    %dma_wait3A_139 = arith.constant 0 : i32
    %dma_wait3A_140 = tpu.memref_slice %arg4[%dma_wait3A_138, %dma_wait3A_139] : memref<425984x32xf32, #tpu.memory_space<hbm>> -> memref<128x32xf32, #tpu.memory_space<hbm>>
    %dma_wait3A_141 = arith.constant 0 : i32
    %dma_wait3A_142 = arith.constant 0 : i32
    %dma_wait3A_143 = tpu.memref_slice %arg6[%dma_wait3A_127, %dma_wait3A_141, %dma_wait3A_142] : memref<4x128x32xf32, #tpu.memory_space<vmem>> -> memref<1x128x32xf32, #tpu.memory_space<vmem>>
    %dma_wait3A_144 = tpu.memref_squeeze %dma_wait3A_143 : memref<1x128x32xf32, #tpu.memory_space<vmem>> -> memref<128x32xf32, #tpu.memory_space<vmem>>
    tpu.wait_dma2 semaphore(%dma_wait3A_137 : memref<!tpu.dma_semaphore, #tpu.memory_space<semaphore_mem>>) src(%dma_wait3A_144 : memref<128x32xf32, #tpu.memory_space<vmem>>) dst(%dma_wait3A_140 : memref<128x32xf32, #tpu.memory_space<hbm>>)
    %dma_wait3A_145 = arith.constant 3 : i32
    %dma_wait3A_146 = arith.constant 3 : i32
    %dma_wait3A_147 = arith.constant 0 : i32
    %dma_wait3A_148 = arith.constant 0 : i32
    %dma_wait3A_149 = tpu.memref_slice %arg6[%dma_wait3A_145, %dma_wait3A_147, %dma_wait3A_148] : memref<4x128x32xf32, #tpu.memory_space<vmem>> -> memref<1x128x32xf32, #tpu.memory_space<vmem>>
    %dma_wait3A_150 = tpu.memref_squeeze %dma_wait3A_149 : memref<1x128x32xf32, #tpu.memory_space<vmem>> -> memref<128x32xf32, #tpu.memory_space<vmem>>
    %dma_wait3A_151 = arith.constant 0 : i32
    %dma_wait3A_152 = arith.constant 0 : i32
    %dma_wait3A_153 = tpu.memref_slice %arg4[%dma_wait3A_151, %dma_wait3A_152] : memref<425984x32xf32, #tpu.memory_space<hbm>> -> memref<128x32xf32, #tpu.memory_space<hbm>>
    %dma_wait3A_154 = tpu.memref_slice %arg9[%dma_wait3A_146] : memref<4x!tpu.dma_semaphore, #tpu.memory_space<semaphore_mem>> -> memref<1x!tpu.dma_semaphore, #tpu.memory_space<semaphore_mem>>
    %dma_wait3A_155 = tpu.memref_squeeze %dma_wait3A_154 : memref<1x!tpu.dma_semaphore, #tpu.memory_space<semaphore_mem>> -> memref<!tpu.dma_semaphore, #tpu.memory_space<semaphore_mem>>
    %dma_wait3A_156 = arith.constant 0 : i32
    %dma_wait3A_157 = arith.constant 0 : i32
    %dma_wait3A_158 = tpu.memref_slice %arg4[%dma_wait3A_156, %dma_wait3A_157] : memref<425984x32xf32, #tpu.memory_space<hbm>> -> memref<128x32xf32, #tpu.memory_space<hbm>>
    %dma_wait3A_159 = arith.constant 0 : i32
    %dma_wait3A_160 = arith.constant 0 : i32
    %dma_wait3A_161 = tpu.memref_slice %arg6[%dma_wait3A_145, %dma_wait3A_159, %dma_wait3A_160] : memref<4x128x32xf32, #tpu.memory_space<vmem>> -> memref<1x128x32xf32, #tpu.memory_space<vmem>>
    %dma_wait3A_162 = tpu.memref_squeeze %dma_wait3A_161 : memref<1x128x32xf32, #tpu.memory_space<vmem>> -> memref<128x32xf32, #tpu.memory_space<vmem>>
    tpu.wait_dma2 semaphore(%dma_wait3A_155 : memref<!tpu.dma_semaphore, #tpu.memory_space<semaphore_mem>>) src(%dma_wait3A_162 : memref<128x32xf32, #tpu.memory_space<vmem>>) dst(%dma_wait3A_158 : memref<128x32xf32, #tpu.memory_space<hbm>>)
    return
  }
}

module attributes {stable_mosaic.version = 14 : i64} {
  func.func @_tc_body(%arg0: i32, %arg1: memref<512x13xf32, #tpu.memory_space<vmem>>, %arg2: memref<13312x32xf32, #tpu.memory_space<vmem>>, %arg3: memref<13x512xbf16, #tpu.memory_space<vmem>>, %arg4: memref<512xf32, #tpu.memory_space<vmem>>, %arg5: memref<512x256xbf16, #tpu.memory_space<vmem>>, %arg6: memref<256xf32, #tpu.memory_space<vmem>>, %arg7: memref<256x32xbf16, #tpu.memory_space<vmem>>, %arg8: memref<32xf32, #tpu.memory_space<vmem>>, %arg9: memref<32x512xbf16, #tpu.memory_space<vmem>>, %arg10: memref<729x512xbf16, #tpu.memory_space<vmem>>, %arg11: memref<512xf32, #tpu.memory_space<vmem>>, %arg12: memref<512x256xbf16, #tpu.memory_space<vmem>>, %arg13: memref<256xf32, #tpu.memory_space<vmem>>, %arg14: memref<256x1xbf16, #tpu.memory_space<vmem>>, %arg15: memref<1xf32, #tpu.memory_space<vmem>>, %arg16: memref<512x1xf32, #tpu.memory_space<vmem>>) attributes {dimension_semantics = [#tpu.dimension_semantics<arbitrary>], iteration_bounds = array<i64: 32>, scalar_prefetch = 0 : i64, scratch_operands = 0 : i64, tpu.core_type = #tpu.core_type<tc>, window_params = [{transform_indices = @transform_0, window_bounds = array<i64: 512, 13>}, {transform_indices = @transform_1, window_bounds = array<i64: 13312, 32>}, {pipeline_mode = #tpu.pipeline_mode<synchronous>, transform_indices = @transform_2, window_bounds = array<i64: 13, 512>}, {pipeline_mode = #tpu.pipeline_mode<synchronous>, transform_indices = @transform_3, window_bounds = array<i64: 512>}, {pipeline_mode = #tpu.pipeline_mode<synchronous>, transform_indices = @transform_4, window_bounds = array<i64: 512, 256>}, {pipeline_mode = #tpu.pipeline_mode<synchronous>, transform_indices = @transform_5, window_bounds = array<i64: 256>}, {pipeline_mode = #tpu.pipeline_mode<synchronous>, transform_indices = @transform_6, window_bounds = array<i64: 256, 32>}, {pipeline_mode = #tpu.pipeline_mode<synchronous>, transform_indices = @transform_7, window_bounds = array<i64: 32>}, {pipeline_mode = #tpu.pipeline_mode<synchronous>, transform_indices = @transform_8, window_bounds = array<i64: 32, 512>}, {pipeline_mode = #tpu.pipeline_mode<synchronous>, transform_indices = @transform_9, window_bounds = array<i64: 729, 512>}, {pipeline_mode = #tpu.pipeline_mode<synchronous>, transform_indices = @transform_10, window_bounds = array<i64: 512>}, {pipeline_mode = #tpu.pipeline_mode<synchronous>, transform_indices = @transform_11, window_bounds = array<i64: 512, 256>}, {pipeline_mode = #tpu.pipeline_mode<synchronous>, transform_indices = @transform_12, window_bounds = array<i64: 256>}, {pipeline_mode = #tpu.pipeline_mode<synchronous>, transform_indices = @transform_13, window_bounds = array<i64: 256, 1>}, {pipeline_mode = #tpu.pipeline_mode<synchronous>, transform_indices = @transform_14, window_bounds = array<i64: 1>}, {transform_indices = @transform_15, window_bounds = array<i64: 512, 1>}]} {
    %get3A = arith.constant 0 : index
    %get3A_0 = arith.constant 0 : index
    %get3A_1 = vector.load %arg1[%get3A, %get3A_0] : memref<512x13xf32, #tpu.memory_space<vmem>>, vector<512x13xf32>
    %convert_element_type3A = arith.truncf %get3A_1 : vector<512x13xf32> to vector<512x13xbf16>
    %get3A_2 = arith.constant 0 : index
    %get3A_3 = arith.constant 0 : index
    %get3A_4 = vector.load %arg3[%get3A_2, %get3A_3] : memref<13x512xbf16, #tpu.memory_space<vmem>>, vector<13x512xbf16>
    %dot_general3A = arith.constant dense<0.000000e+00> : vector<512x512xf32>
    %dot_general3A_5 = tpu.matmul %convert_element_type3A, %get3A_4, %dot_general3A {dimension_numbers = #tpu.dot_dimension_numbers<[1], [0], [0], [1], [0, 0, 1, 1], [], []>, transpose_lhs_hint = false} : vector<512x13xbf16>, vector<13x512xbf16>, vector<512x512xf32> -> vector<512x512xf32>
    %get3A_6 = arith.constant 0 : index
    %get3A_7 = vector.load %arg4[%get3A_6] : memref<512xf32, #tpu.memory_space<vmem>>, vector<512xf32>
    %broadcast_in_dim3A = vector.shape_cast %get3A_7 : vector<512xf32> to vector<1x512xf32>
    %add3A = vector.broadcast %broadcast_in_dim3A : vector<1x512xf32> to vector<512x512xf32>
    %add3A_8 = arith.addf %dot_general3A_5, %add3A : vector<512x512xf32>
    %max3A = arith.constant 0.000000e+00 : f32
    %max3A_9 = vector.broadcast %max3A : f32 to vector<512x512xf32>
    %max3A_10 = arith.maximumf %add3A_8, %max3A_9 : vector<512x512xf32>
    %convert_element_type3A_11 = arith.truncf %max3A_10 : vector<512x512xf32> to vector<512x512xbf16>
    %get3A_12 = arith.constant 0 : index
    %get3A_13 = arith.constant 0 : index
    %get3A_14 = vector.load %arg5[%get3A_12, %get3A_13] : memref<512x256xbf16, #tpu.memory_space<vmem>>, vector<512x256xbf16>
    %dot_general3A_15 = arith.constant dense<0.000000e+00> : vector<512x256xf32>
    %dot_general3A_16 = tpu.matmul %convert_element_type3A_11, %get3A_14, %dot_general3A_15 {dimension_numbers = #tpu.dot_dimension_numbers<[1], [0], [0], [1], [0, 0, 1, 1], [], []>, transpose_lhs_hint = false} : vector<512x512xbf16>, vector<512x256xbf16>, vector<512x256xf32> -> vector<512x256xf32>
    %get3A_17 = arith.constant 0 : index
    %get3A_18 = vector.load %arg6[%get3A_17] : memref<256xf32, #tpu.memory_space<vmem>>, vector<256xf32>
    %broadcast_in_dim3A_19 = vector.shape_cast %get3A_18 : vector<256xf32> to vector<1x256xf32>
    %add3A_20 = vector.broadcast %broadcast_in_dim3A_19 : vector<1x256xf32> to vector<512x256xf32>
    %add3A_21 = arith.addf %dot_general3A_16, %add3A_20 : vector<512x256xf32>
    %max3A_22 = arith.constant 0.000000e+00 : f32
    %max3A_23 = vector.broadcast %max3A_22 : f32 to vector<512x256xf32>
    %max3A_24 = arith.maximumf %add3A_21, %max3A_23 : vector<512x256xf32>
    %convert_element_type3A_25 = arith.truncf %max3A_24 : vector<512x256xf32> to vector<512x256xbf16>
    %get3A_26 = arith.constant 0 : index
    %get3A_27 = arith.constant 0 : index
    %get3A_28 = vector.load %arg7[%get3A_26, %get3A_27] : memref<256x32xbf16, #tpu.memory_space<vmem>>, vector<256x32xbf16>
    %dot_general3A_29 = arith.constant dense<0.000000e+00> : vector<512x32xf32>
    %dot_general3A_30 = tpu.matmul %convert_element_type3A_25, %get3A_28, %dot_general3A_29 {dimension_numbers = #tpu.dot_dimension_numbers<[1], [0], [0], [1], [0, 0, 1, 1], [], []>, transpose_lhs_hint = false} : vector<512x256xbf16>, vector<256x32xbf16>, vector<512x32xf32> -> vector<512x32xf32>
    %get3A_31 = arith.constant 0 : index
    %get3A_32 = vector.load %arg8[%get3A_31] : memref<32xf32, #tpu.memory_space<vmem>>, vector<32xf32>
    %broadcast_in_dim3A_33 = vector.shape_cast %get3A_32 : vector<32xf32> to vector<1x32xf32>
    %add3A_34 = vector.broadcast %broadcast_in_dim3A_33 : vector<1x32xf32> to vector<512x32xf32>
    %add3A_35 = arith.addf %dot_general3A_30, %add3A_34 : vector<512x32xf32>
    %get3A_36 = arith.constant 0 : index
    %get3A_37 = arith.constant 0 : index
    %get3A_38 = vector.load %arg2[%get3A_36, %get3A_37] : memref<13312x32xf32, #tpu.memory_space<vmem>>, vector<13312x32xf32>
    %reshape3A = vector.shape_cast %get3A_38 : vector<13312x32xf32> to vector<512x26x32xf32>
    %reshape3A_39 = vector.shape_cast %add3A_35 : vector<512x32xf32> to vector<512x1x32xf32>
    %convert_element_type3A_40 = arith.truncf %reshape3A_39 : vector<512x1x32xf32> to vector<512x1x32xbf16>
    %convert_element_type3A_41 = arith.truncf %reshape3A : vector<512x26x32xf32> to vector<512x26x32xbf16>
    %concatenate3A = tpu.concatenate %convert_element_type3A_40, %convert_element_type3A_41 in 1 : vector<512x1x32xbf16>, vector<512x26x32xbf16> -> vector<512x27x32xbf16>
    %dot_general3A_42 = arith.constant dense<0.000000e+00> : vector<512x27x27xf32>
    %dot_general3A_43 = tpu.matmul %concatenate3A, %concatenate3A, %dot_general3A_42 {dimension_numbers = #tpu.dot_dimension_numbers<[2], [2], [1], [1], [0, 0, 0, 1, 1, 1], [0], [0]>, transpose_lhs_hint = false} : vector<512x27x32xbf16>, vector<512x27x32xbf16>, vector<512x27x27xf32> -> vector<512x27x27xf32>
    %reshape3A_44 = vector.shape_cast %dot_general3A_43 : vector<512x27x27xf32> to vector<512x729xf32>
    %convert_element_type3A_45 = arith.truncf %add3A_35 : vector<512x32xf32> to vector<512x32xbf16>
    %get3A_46 = arith.constant 0 : index
    %get3A_47 = arith.constant 0 : index
    %get3A_48 = vector.load %arg9[%get3A_46, %get3A_47] : memref<32x512xbf16, #tpu.memory_space<vmem>>, vector<32x512xbf16>
    %dot_general3A_49 = arith.constant dense<0.000000e+00> : vector<512x512xf32>
    %dot_general3A_50 = tpu.matmul %convert_element_type3A_45, %get3A_48, %dot_general3A_49 {dimension_numbers = #tpu.dot_dimension_numbers<[1], [0], [0], [1], [0, 0, 1, 1], [], []>, transpose_lhs_hint = false} : vector<512x32xbf16>, vector<32x512xbf16>, vector<512x512xf32> -> vector<512x512xf32>
    %convert_element_type3A_51 = arith.truncf %reshape3A_44 : vector<512x729xf32> to vector<512x729xbf16>
    %get3A_52 = arith.constant 0 : index
    %get3A_53 = arith.constant 0 : index
    %get3A_54 = vector.load %arg10[%get3A_52, %get3A_53] : memref<729x512xbf16, #tpu.memory_space<vmem>>, vector<729x512xbf16>
    %dot_general3A_55 = arith.constant dense<0.000000e+00> : vector<512x512xf32>
    %dot_general3A_56 = tpu.matmul %convert_element_type3A_51, %get3A_54, %dot_general3A_55 {dimension_numbers = #tpu.dot_dimension_numbers<[1], [0], [0], [1], [0, 0, 1, 1], [], []>, transpose_lhs_hint = false} : vector<512x729xbf16>, vector<729x512xbf16>, vector<512x512xf32> -> vector<512x512xf32>
    %add3A_57 = arith.addf %dot_general3A_50, %dot_general3A_56 : vector<512x512xf32>
    %get3A_58 = arith.constant 0 : index
    %get3A_59 = vector.load %arg11[%get3A_58] : memref<512xf32, #tpu.memory_space<vmem>>, vector<512xf32>
    %broadcast_in_dim3A_60 = vector.shape_cast %get3A_59 : vector<512xf32> to vector<1x512xf32>
    %add3A_61 = vector.broadcast %broadcast_in_dim3A_60 : vector<1x512xf32> to vector<512x512xf32>
    %add3A_62 = arith.addf %add3A_57, %add3A_61 : vector<512x512xf32>
    %max3A_63 = arith.constant 0.000000e+00 : f32
    %max3A_64 = vector.broadcast %max3A_63 : f32 to vector<512x512xf32>
    %max3A_65 = arith.maximumf %add3A_62, %max3A_64 : vector<512x512xf32>
    %convert_element_type3A_66 = arith.truncf %max3A_65 : vector<512x512xf32> to vector<512x512xbf16>
    %get3A_67 = arith.constant 0 : index
    %get3A_68 = arith.constant 0 : index
    %get3A_69 = vector.load %arg12[%get3A_67, %get3A_68] : memref<512x256xbf16, #tpu.memory_space<vmem>>, vector<512x256xbf16>
    %dot_general3A_70 = arith.constant dense<0.000000e+00> : vector<512x256xf32>
    %dot_general3A_71 = tpu.matmul %convert_element_type3A_66, %get3A_69, %dot_general3A_70 {dimension_numbers = #tpu.dot_dimension_numbers<[1], [0], [0], [1], [0, 0, 1, 1], [], []>, transpose_lhs_hint = false} : vector<512x512xbf16>, vector<512x256xbf16>, vector<512x256xf32> -> vector<512x256xf32>
    %get3A_72 = arith.constant 0 : index
    %get3A_73 = vector.load %arg13[%get3A_72] : memref<256xf32, #tpu.memory_space<vmem>>, vector<256xf32>
    %broadcast_in_dim3A_74 = vector.shape_cast %get3A_73 : vector<256xf32> to vector<1x256xf32>
    %add3A_75 = vector.broadcast %broadcast_in_dim3A_74 : vector<1x256xf32> to vector<512x256xf32>
    %add3A_76 = arith.addf %dot_general3A_71, %add3A_75 : vector<512x256xf32>
    %max3A_77 = arith.constant 0.000000e+00 : f32
    %max3A_78 = vector.broadcast %max3A_77 : f32 to vector<512x256xf32>
    %max3A_79 = arith.maximumf %add3A_76, %max3A_78 : vector<512x256xf32>
    %convert_element_type3A_80 = arith.truncf %max3A_79 : vector<512x256xf32> to vector<512x256xbf16>
    %get3A_81 = arith.constant 0 : index
    %get3A_82 = arith.constant 0 : index
    %get3A_83 = vector.load %arg14[%get3A_81, %get3A_82] : memref<256x1xbf16, #tpu.memory_space<vmem>>, vector<256x1xbf16>
    %dot_general3A_84 = arith.constant dense<0.000000e+00> : vector<512x1xf32>
    %dot_general3A_85 = tpu.matmul %convert_element_type3A_80, %get3A_83, %dot_general3A_84 {dimension_numbers = #tpu.dot_dimension_numbers<[1], [0], [0], [1], [0, 0, 1, 1], [], []>, transpose_lhs_hint = false} : vector<512x256xbf16>, vector<256x1xbf16>, vector<512x1xf32> -> vector<512x1xf32>
    %get3A_86 = arith.constant 0 : index
    %get3A_87 = vector.load %arg15[%get3A_86] : memref<1xf32, #tpu.memory_space<vmem>>, vector<1xf32>
    %broadcast_in_dim3A_88 = vector.shape_cast %get3A_87 : vector<1xf32> to vector<1x1xf32>
    %add3A_89 = vector.broadcast %broadcast_in_dim3A_88 : vector<1x1xf32> to vector<512x1xf32>
    %add3A_90 = arith.addf %dot_general3A_85, %add3A_89 : vector<512x1xf32>
    %logistic3A = arith.negf %add3A_90 : vector<512x1xf32>
    %logistic3A_91 = math.exp %logistic3A : vector<512x1xf32>
    %logistic3A_92 = arith.constant 1.000000e+00 : f32
    %logistic3A_93 = vector.broadcast %logistic3A_92 : f32 to vector<512x1xf32>
    %logistic3A_94 = arith.addf %logistic3A_93, %logistic3A_91 : vector<512x1xf32>
    %logistic3A_95 = arith.divf %logistic3A_93, %logistic3A_94 : vector<512x1xf32>
    %swap3A = arith.constant 0 : index
    %swap3A_96 = arith.constant 0 : index
    %swap3A_97 = vector.load %arg16[%swap3A, %swap3A_96] : memref<512x1xf32, #tpu.memory_space<vmem>>, vector<512x1xf32>
    tpu.vector_store %arg16[%swap3A, %swap3A_96], %logistic3A_95 {strides = array<i32>} : memref<512x1xf32, #tpu.memory_space<vmem>>, vector<512x1xf32>,
    return
  }
  func.func @transform_0(%arg0: i32) -> (i32, i32) {
    %c0_i32 = arith.constant 0 : i32
    %c0_i32_0 = arith.constant 0 : i32
    return %arg0, %c0_i32 : i32, i32
  }
  func.func @transform_1(%arg0: i32) -> (i32, i32) {
    %c0_i32 = arith.constant 0 : i32
    %c0_i32_0 = arith.constant 0 : i32
    return %arg0, %c0_i32 : i32, i32
  }
  func.func @transform_2(%arg0: i32) -> (i32, i32) {
    %c0_i32 = arith.constant 0 : i32
    %c0_i32_0 = arith.constant 0 : i32
    %c0_i32_1 = arith.constant 0 : i32
    return %c0_i32, %c0_i32_0 : i32, i32
  }
  func.func @transform_3(%arg0: i32) -> i32 {
    %c0_i32 = arith.constant 0 : i32
    %c0_i32_0 = arith.constant 0 : i32
    return %c0_i32 : i32
  }
  func.func @transform_4(%arg0: i32) -> (i32, i32) {
    %c0_i32 = arith.constant 0 : i32
    %c0_i32_0 = arith.constant 0 : i32
    %c0_i32_1 = arith.constant 0 : i32
    return %c0_i32, %c0_i32_0 : i32, i32
  }
  func.func @transform_5(%arg0: i32) -> i32 {
    %c0_i32 = arith.constant 0 : i32
    %c0_i32_0 = arith.constant 0 : i32
    return %c0_i32 : i32
  }
  func.func @transform_6(%arg0: i32) -> (i32, i32) {
    %c0_i32 = arith.constant 0 : i32
    %c0_i32_0 = arith.constant 0 : i32
    %c0_i32_1 = arith.constant 0 : i32
    return %c0_i32, %c0_i32_0 : i32, i32
  }
  func.func @transform_7(%arg0: i32) -> i32 {
    %c0_i32 = arith.constant 0 : i32
    %c0_i32_0 = arith.constant 0 : i32
    return %c0_i32 : i32
  }
  func.func @transform_8(%arg0: i32) -> (i32, i32) {
    %c0_i32 = arith.constant 0 : i32
    %c0_i32_0 = arith.constant 0 : i32
    %c0_i32_1 = arith.constant 0 : i32
    return %c0_i32, %c0_i32_0 : i32, i32
  }
  func.func @transform_9(%arg0: i32) -> (i32, i32) {
    %c0_i32 = arith.constant 0 : i32
    %c0_i32_0 = arith.constant 0 : i32
    %c0_i32_1 = arith.constant 0 : i32
    return %c0_i32, %c0_i32_0 : i32, i32
  }
  func.func @transform_10(%arg0: i32) -> i32 {
    %c0_i32 = arith.constant 0 : i32
    %c0_i32_0 = arith.constant 0 : i32
    return %c0_i32 : i32
  }
  func.func @transform_11(%arg0: i32) -> (i32, i32) {
    %c0_i32 = arith.constant 0 : i32
    %c0_i32_0 = arith.constant 0 : i32
    %c0_i32_1 = arith.constant 0 : i32
    return %c0_i32, %c0_i32_0 : i32, i32
  }
  func.func @transform_12(%arg0: i32) -> i32 {
    %c0_i32 = arith.constant 0 : i32
    %c0_i32_0 = arith.constant 0 : i32
    return %c0_i32 : i32
  }
  func.func @transform_13(%arg0: i32) -> (i32, i32) {
    %c0_i32 = arith.constant 0 : i32
    %c0_i32_0 = arith.constant 0 : i32
    %c0_i32_1 = arith.constant 0 : i32
    return %c0_i32, %c0_i32_0 : i32, i32
  }
  func.func @transform_14(%arg0: i32) -> i32 {
    %c0_i32 = arith.constant 0 : i32
    %c0_i32_0 = arith.constant 0 : i32
    return %c0_i32 : i32
  }
  func.func @transform_15(%arg0: i32) -> (i32, i32) {
    %c0_i32 = arith.constant 0 : i32
    %c0_i32_0 = arith.constant 0 : i32
    return %arg0, %c0_i32 : i32, i32
  }
}

</mosaic_0001>

<sc_bundles>
// kernel: kernel.4.cloned.1.call-start
scs
__scs_entry_jumppad:
0x0: {  	(pc) =	sbr.rel $0x88, $3  }
0x1: {  	(tag) =	ssettag $0x0;
	lr =	simm.s32 $0x1  }
0x2: {  	[smem:$0x3F92] =	sst lr;
	_ =	strace $0xD0000000  }
0x3: {  	_ = 	snop  }
0x4: {  	_ = 	snop  }
0x5: {  	_ = 	snop  }
0x6: {  	_ = 	snop  }
0x7: {  	_ = 	snop  }
__scs_overlays_trampoline_lowered:
0x8: {  	[smem:$0x3FA1] =	sst s0  }
0x9: {  	[smem:$0x3FA2] =	sst s1  }
0xa: {  	[smem:$0x3FA3] =	sst s2  }
0xb: {  	[smem:$0x3FA4] =	sst s3  }
0xc: {  	[smem:$0x3FA5] =	sst s4  }
0xd: {  	[smem:$0x3FA6] =	sst s5  }
0xe: {  	[smem:$0x3FA7] =	sst s6  }
0xf: {  	[smem:$0x3FA8] =	sst s7  }
0x10: {  	[smem:$0x3FA9] =	sst s8  }
0x11: {  	[smem:$0x3FAA] =	sst s9;
	s0 =	simm.s32 @!p0 $0x0  }
0x12: {  	s1 =	sld [smem:$0x3F90];
	s0 =	simm.s32 @p0 $0x1  }
0x13: {  	[smem:$0x3FAB] =	sst s0;
	s0 =	simm.s32 @!p1 $0x0  }
0x14: {  	s2 =	sld [smem:$0x3F8F];
	s0 =	simm.s32 @p1 $0x1  }
0x15: {  	[smem:$0x3FAC] =	sst s0;
	s0 =	simm.s32 @!p2 $0x0  }
0x16: {  	s3 =	sld [smem:$0x3FDB];
	s0 =	simm.s32 @p2 $0x1  }
0x17: {  	s4 =	simm.s32 $0x1BF5;
	[smem:$0x3FAE] =	sst s0  }
0x18: {  	s0 =	sld [smem:$0x3F91];
	_ =	swait.ge [sflag:s4], $0x0  }
0x19: {  	s7 =	sld [smem:$0x3F92]  }
0x1a: {  	s8 =	sadd.s32 $0xFFFFE003, lr  }
0x1b: {  	s9 =	sadd.s32 $0xFFFFFEF7, lr;
	s5 =	simm.s32 $0xFFFFFFFF;
	p2 =	slt.u32 s8, $0xFFFFF086  }
0x1c: {  	p1 =	slt.u32 s9, $0xF7A;
	s5 =	simm.s32 @!p2 $0x0  }
0x1d: {  	s5 =	simm.s32 @p1 $0x1;
	p0 =	seq.s32 s7, s2  }
0x1e: {  	s7 =	smul.u32 @!p0 $0xF7A, s2;
	p2 =	seq.s32 @!p0 s5, $0x0  }
0x1f: {  	s9 =	smul.u32 $0xF7A, s1;
	s8 =	simm.s32 @!p0 $0x1BF5;
	p2 =	por !p2, p0  }
0x20: {  	[sflag:s8] =	ssyncset.s32 @!p0 $0xFFFFF086;
	s6 =	sadd.s32 @!p0 s3, s7;
	s7 =	simm.s32 @!p0 $0x108  }
0x21: {  	s3 =	sadd.s32 s3, s9;
	s6 =	sadd.s32 @!p0 $0x88, s6;
	s7 =	simm.s32 @p2 $0x1082  }
0x22: {  	[simem:s7], [sflag:s8] =	dma.local @!p0 [hbm:s6], $0xF7A  }
0x23: {  	s9 =	sor.u32 $0xD0000000, s2;
	s6 =	simm.s32 $0x108;
	_ =	swait.ge @!p0 [sflag:s8], $0x0  }
0x24: {  	s3 =	sadd.s32 $0x88, s3;
	s6 =	simm.s32 @!p1 $0x1082;
	[sflag:s4] =	ssyncset.s32 $0xFFFFF086  }
0x25: {  	[simem:s6], [sflag:s4] =	dma.local [hbm:s3], $0xF7A  }
0x26: {  	[smem:$0x3F92] =	sst s1;
	(tag) =	ssettag s2;
	_ =	strace s9  }
0x27: {  	s1 =	sld [smem:$0x3FA2]  }
0x28: {  	s2 =	sld [smem:$0x3FA3]  }
0x29: {  	s4 =	sld [smem:$0x3FA5]  }
0x2a: {  	p0 =	seq.s32 s5, $0x0;
	s5 =	sld [smem:$0x3FA6]  }
0x2b: {  	s6 =	sld [smem:$0x3FA7]  }
0x2c: {  	s7 =	sld [smem:$0x3FA8]  }
0x2d: {  	s3 =	simm.s32 $0x108;
	s8 =	sld [smem:$0x3FA9]  }
0x2e: {  	s3 =	simm.s32 @!p0 $0x1082;
	s9 =	sld [smem:$0x3FAA]  }
0x2f: {  	lr =	sadd.s32 s0, s3;
	s0 =	sld [smem:$0x3FA1]  }
0x30: {  	s3 =	sld [smem:$0x3FA4]  }
0x31: {  	[smem:$0x3FAD] =	sst s10  }
0x32: {  	s10 =	sld [smem:$0x3FAB];
	_ =	sdelay $0x3  }
0x33: {  	p0 =	seq.s32 s10, $0x1;
	s10 =	sld [smem:$0x3FAD];
	_ =	sdelay $0x3  }
0x34: {  	[smem:$0x3FAD] =	sst s10  }
0x35: {  	s10 =	sld [smem:$0x3FAC];
	_ =	sdelay $0x3  }
0x36: {  	p1 =	seq.s32 s10, $0x1;
	s10 =	sld [smem:$0x3FAD];
	_ =	sdelay $0x3  }
0x37: {  	[smem:$0x3FAD] =	sst s10  }
0x38: {  	s10 =	sld [smem:$0x3FAE]  }
0x39: {  	_ = 	snop;
	(pc) =	sbr.ind lr, $3  }
0x3a: {  	_ = 	snop  }
0x3b: {  	_ = 	snop  }
0x3c: {  	p2 =	seq.s32 s10, $0x1;
	s10 =	sld [smem:$0x3FAD]  }
0x3d: {  	_ =	shalt  }
0x3e: {  	_ =	shalt  }
0x3f: {  	_ =	shalt  }
0x40: {  	_ =	shalt  }
0x41: {  	_ =	shalt  }
0x42: {  	_ =	shalt  }
0x43: {  	_ =	shalt  }
0x44: {  	_ =	shalt  }
0x45: {  	_ =	shalt  }
0x46: {  	_ =	shalt  }
0x47: {  	_ =	shalt  }
0x48: {  	_ =	shalt  }
0x49: {  	_ =	shalt  }
0x4a: {  	_ =	shalt  }
0x4b: {  	_ =	shalt  }
0x4c: {  	_ =	shalt  }
0x4d: {  	_ =	shalt  }
0x4e: {  	_ =	shalt  }
0x4f: {  	_ =	shalt  }
0x50: {  	_ =	shalt  }
0x51: {  	_ =	shalt  }
0x52: {  	_ =	shalt  }
0x53: {  	_ =	shalt  }
0x54: {  	_ =	shalt  }
0x55: {  	_ =	shalt  }
0x56: {  	_ =	shalt  }
0x57: {  	_ =	shalt  }
0x58: {  	_ =	shalt  }
0x59: {  	_ =	shalt  }
0x5a: {  	_ =	shalt  }
0x5b: {  	_ =	shalt  }
0x5c: {  	_ =	shalt  }
0x5d: {  	_ =	shalt  }
0x5e: {  	_ =	shalt  }
0x5f: {  	_ =	shalt  }
0x60: {  	_ =	shalt  }
0x61: {  	_ =	shalt  }
0x62: {  	_ =	shalt  }
0x63: {  	_ =	shalt  }
0x64: {  	_ =	shalt  }
0x65: {  	_ =	shalt  }
0x66: {  	_ =	shalt  }
0x67: {  	_ =	shalt  }
0x68: {  	_ =	shalt  }
0x69: {  	_ =	shalt  }
0x6a: {  	_ =	shalt  }
0x6b: {  	_ =	shalt  }
0x6c: {  	_ =	shalt  }
0x6d: {  	_ =	shalt  }
0x6e: {  	_ =	shalt  }
0x6f: {  	_ =	shalt  }
0x70: {  	_ =	shalt  }
0x71: {  	_ =	shalt  }
0x72: {  	_ =	shalt  }
0x73: {  	_ =	shalt  }
0x74: {  	_ =	shalt  }
0x75: {  	_ =	shalt  }
0x76: {  	_ =	shalt  }
0x77: {  	_ =	shalt  }
0x78: {  	_ =	shalt  }
0x79: {  	_ =	shalt  }
0x7a: {  	_ =	shalt  }
0x7b: {  	_ =	shalt  }
0x7c: {  	_ =	shalt  }
0x7d: {  	_ =	shalt  }
0x7e: {  	_ =	shalt  }
0x7f: {  	_ =	shalt  }
0x80: {  	_ =	shalt  }
0x81: {  	_ =	shalt  }
0x82: {  	_ =	shalt  }
0x83: {  	_ =	shalt  }
0x84: {  	_ =	shalt  }
0x85: {  	_ =	shalt  }
0x86: {  	_ =	shalt  }
0x87: {  	_ =	shalt  }
.Lfunc_end0:
.L_simem_size_0:
called_computation_lowered:
.L_overlay_start_0:
0x88: {  	s2 =	sld [smem:$0x3FD9]  }
0x89: {  	s3 =	sld [smem:$0x3FFE];
	_ =	sdelay $0x1  }
0x8a: {  	s1 =	srdreg.scid  }
0x8b: {  	s0 =	sand.u32 $0x1, s1  }
0x8c: {  	s16 =	sshll.u32 s0, $0xA;
	s2 =	sadd.s32 s3, s2  }
0x8d: {  	s2 =	sadd.s32 s2, s16  }
0x8e: {  	[smem:$0x3FB9] =	sst s2  }
0x8f: {  	_ = 	snop  }
0x90: {  	(tm) =	ssettm $0x1  }
0x91: {  	s17 =	sld [smem:$0x3FFB];
	_ =	sdelay $0x3  }
0x92: {  	_ =	strace s17  }
0x93: {  	s2 =	sld [smem:$0x3FFC];
	_ =	sdelay $0x3  }
0x94: {  	_ =	strace s2  }
0x95: {  	s2 =	sld [smem:$0x3FFD];
	_ =	sdelay $0x3  }
0x96: {  	_ =	strace s2  }
0x97: {  	_ =	strace $0x8FFFFFFF  }
0x98: {  	s18 =	sld [smem:$0x3FDB];
	_ =	sdelay $0x1  }
0x99: {  	s19 =	simm.s32 $_scs_section_size  }
0x9a: {  	s4 =	simm.s32 $_size__tile_overlayer_lowered;
	s5 =	simm.s32 $_tile_overlayer_lowered  }
0x9b: {  	s22 =	simm.s32 $0x1BFF;
	s21 =	sshll.u32 s5, $0x1;
	s2 =	sadd.s32 s19, s18  }
0x9c: {  	s6 =	simm.s32 $0x0;
	s20 =	sshll.u32 s4, $0x1;
	s4 =	sadd.s32 s21, s2  }
0x9d: {  	[timem:s6], [sflag:s22] =	dma.local [hbm:s4], s20  }
0x9e: {  	_ =	swait.ge [sflag:s22], s20  }
0x9f: {  	s3 =	ssub.s32 $0x0, s20;
	[sflag:s22] =	ssyncset.done $0x0  }
0xa0: {  	[sflag:s22] =	ssyncadd.s32 s3;
	_ =	sdelay $0x1  }
0xa1: {  	s23 =	simm.s32 $0x1B8B  }
0xa2: {  	_ =	swait.ge [sflag:s23], $0x1  }
0xa3: {  	[sflag:s23] =	ssyncset.done $0x0  }
0xa4: {  	s25 =	simm.s32 $0x1B8E;
	s24 =	sld [smem:$0x3FFE];
	[sflag:s23] =	ssyncadd.s32 $0xFFFFFFFF  }
0xa5: {  	s26 =	simm.s32 $execute0_lowered;
	[smem:$0x3FD2] =	sst s25  }
0xa6: {  	s4 =	sshll.u32 s26, $0x1;
	_ =	strace $0x80000046;
	[dreg:$0x1] =	wrdreg $0xFFFFFFFF  }
0xa7: {  	s28 =	simm.s32 $_size_execute0_lowered;
	s2 =	sadd.s32 s2, s4;
	[dreg:$0x0] =	wrdreg $0x0  }
0xa8: {  	s4 =	sshll.u32 s28, $0x1;
	[dreg:$0x2] =	wrdreg s2  }
0xa9: {  	[dreg:$0x3] =	wrdreg s4  }
0xaa: {  	[dreg:$0x4] =	wrdreg $0xC0  }
0xab: {  	_ =	task [dreg:s6], $0x5FFFF  }
0xac: {  	[dreg:$0x1] =	wrdreg $0xFFFFFFFF  }
0xad: {  	[dreg:$0x0] =	wrdreg $0x60  }
0xae: {  	[dreg:$0x2] =	wrdreg s24  }
0xaf: {  	[dreg:$0x3] =	wrdreg $0x9  }
0xb0: {  	_ =	task.clear_ibuf [dreg:s6], $0x4FFFF;
	_ =	strace $0x90000046  }
0xb1: {  	s29 =	simm.s32 $0x9;
	_ =	strace $0x80000048  }
0xb2: {  	_ =	swait.ge [sflag:s29], $0x1  }
0xb3: {  	[sflag:s29] =	ssyncadd.s32 $0xFFFFFFFF  }
0xb4: {  	_ =	strace $0x90000048  }
0xb5: {  	_ =	sfence  }
0xb6: {  	s30 =	sld [smem:$0x0];
	_ =	sdelay $0x2  }
0xb7: {  	s31 =	sshll.u32 s1, $0xD;
	s1 =	sshrl.u32 s1, $0x2  }
0xb8: {  	s3 =	sand.u32 $0x4000, s31;
	s1 =	sadd.s32 s1, s30  }
0xb9: {  	s0 =	sor.u32 s3, s0;
	s1 =	sshll.u32 s1, $0x11  }
0xba: {  	s0 =	sor.u32 s1, s0  }
0xbb: {  	s0 =	sadd.s32 $0x8F2B, s0  }
0xbc: {  	[sflag:s0] =	ssyncadd.remote.s32 $0x1  }
0xbd: {  	_ =	sfence.sel $0xFFFF  }
0xbe: {  	[dreg:$0x0] =	wrdreg $0xFFFFFFFF;
	(pc) =	sbr.abs _section_cstart, $3  }
0xbf: {  	[dreg:$0x1] =	wrdreg $0xFFFFFFFF  }
0xc0: {  	_ =	task.clear_ibuf [dreg:s6], $0x2FFFF;
	_ =	strace $0x9FFFFFFF  }
0xc1: {  	(tm) =	ssettm $0x7FFFFFFF  }
tec
execute0_lowered:
.L_overlay_start_1:
0x0: {  	(tag) =	ssettag $0x1  }
0x1: {  	s4 =	rddreg [dreg:$0x0]  }
0x2: {  	s2 =	simm.s32 $0x0;
	s3 =	srdreg.scid;
	s0 =	stileid.u32  }
0x3: {  	s16 =	simm.s32 $0x8;
	s17 =	simm.s32 $0x3200;
	s18 =	simm.s32 $0x9  }
0x4: {  	s19 =	simm.s32 $0xA;
	s20 =	simm.s32 $0xB;
	s21 =	simm.s32 $0xC  }
0x5: {  	s22 =	simm.s32 $0x0;
	[smem:$0x7FF] =	sst s2;
	s12 =	smul.u32 $0x6800, s0  }
0x6: {  	s8 =	sand.u32 $0x1, s3;
	s25 =	sshll.u32 s0, $0x1;
	s15 =	smul.u32 $0xD0000, s0  }
0x7: {  	s3 =	sadd.s32 $0x27AE600, s4;
	s10 =	sadd.s32 $0x2200, s4;
	s14 =	smul.u32 $0x3400, s8  }
0x8: {  	s5 =	sor.u32 s8, s25;
	s26 =	ssub.s32 $0x2, s8;
	s29 =	smul.u32 $0x68000, s8  }
0x9: {  	s11 =	sadd.s32 $0xF200, s4;
	s6 =	smul.u32 $0x3400, s5;
	s28 =	sshrl.u32 s26, $0x1  }
0xa: {  	_ =	strace $0x80000047;
	s9 =	smul.u32 $0x68000, s5;
	s13 =	ssub.s32 s26, s28  }
0xb: {  	s12 =	sadd.s32 s14, s12;
	s30 =	sadd.s32 s29, s15;
	s15 =	simm.s32 $0x200  }
0xc: {  	s6 =	sshrl.u32 s6, $0x3;
	s8 =	smax.u32 s13, $0x1;
	s9 =	sshrl.u32 s9, $0x3  }
0xd: {  	s12 =	sor.u32 $0x200, s12;
	s31 =	sshrl.u32 s30, $0x3;
	s4 =	sadd.s32 s10, s6  }
0xe: {  	s9 =	sadd.s32 s11, s9;
	s12 =	sshrl.u32 s12, $0x3;
	s11 =	sadd.s32 s31, s11  }
0xf: {  	s5 =	sadd.s32 $0x10, s4;
	s6 =	sadd.s32 $0x20, s4;
	s7 =	sadd.s32 $0x30, s4  }
0x10: {  	s9 =	sadd.s32 $0xCE00, s9;
	s10 =	sadd.s32 s12, s10;
	s12 =	simm.s32 $0x80  }
.LBB2_1:
0x11: {  	[tilespmem:s2], [sflag:$0x1] =	stream.linear.gather [hbm4b:s4+s2], $0x80, $0x38;
	[tilespmem:$0x4200] =	vst v63  }
0x12: {  	_ = 	snop  }
0x13: {  	[tilespmem:s12], [sflag:$0x2] =	stream.linear.gather [hbm4b:s5+s2], $0x80, $0x38;
	[tilespmem:$0x4200] =	vst v63  }
0x14: {  	s0 =	simm.s32 $0x100  }
0x15: {  	[tilespmem:s0], [sflag:$0x3] =	stream.linear.gather [hbm4b:s6+s2], $0x80, $0x38;
	[tilespmem:$0x4200] =	vst v63  }
0x16: {  	s31 =	simm.s32 $0x180;
	s23 =	simm.s32 $0x1  }
0x17: {  	[tilespmem:s31], [sflag:$0x4] =	stream.linear.gather [hbm4b:s7+s2], $0x80, $0x38;
	[tilespmem:$0x4200] =	vst v63  }
0x18: {  	_ =	swait.ge [sflag:s23], $0x80  }
0x19: {  	[sflag:s23] =	ssyncset.done $0x0  }
0x1a: {  	[sflag:s23] =	ssyncadd.s32 $0xFFFFFF80;
	s23 =	sand.u32 $0x3, s23  }
0x1b: {  	[tilespmem:s15], [sflag:$0x5] =	stream.indirect.gather [hbm4b:s3+s12], $0x20, s2, s12, $0xb8;
	[tilespmem:$0x4200] =	vst v63  }
0x1c: {  	s24 =	sadd.s32 $0x1, s23  }
0x1d: {  	p0 =	por $0x1, $0x1;
	_ =	swait.ge [sflag:s24], $0x80  }
0x1e: {  	s25 =	simm.s32 $0x0;
	p1 =	por $0x0, $0x0;
	[sflag:s24] =	ssyncset.done $0x0  }
0x1f: {  	s29 =	sand.u32 $0x3, s25;
	[sflag:s24] =	ssyncadd.s32 $0xFFFFFF80;
	s24 =	sadd.s32 @!p0 $0x9, s23  }
0x20: {  	s30 =	simm.s32 @!p1 $0x0;
	s14 =	sadd.s32 $0x5, s29;
	_ =	swait.ge @!p0 [sflag:s24], $0x1000  }
0x21: {  	s26 =	sshll.u32 s23, $0xC;
	s1 =	sshll.u32 s23, $0x7;
	[sflag:s24] =	ssyncset.done @!p0 $0x0  }
0x22: {  	s13 =	sor.u32 $0x200, s26;
	s23 =	sadd.s32 $0x5, s23;
	[sflag:s24] =	ssyncadd.s32 @!p0 $0xFFFFF000  }
0x23: {  	[tilespmem:s13], [sflag:s23] =	stream.indirect.gather [hbm4b:s3+s12], $0x20, s1, s12, $0xb8;
	[tilespmem:$0x4200] =	vst v63  }
0x24: {  	s25 =	sshll.u32 s29, $0xC;
	s28 =	sshll.u32 @!p1 s29, $0x7;
	_ =	swait.ge [sflag:s14], $0x1000  }
0x25: {  	s31 =	sadd.s32 $0x9, s29;
	s29 =	sadd.s32 @!p1 $0x1, s29;
	[sflag:s14] =	ssyncset.done $0x0  }
0x26: {  	s26 =	smov.u32 s10;
	s24 =	sor.u32 $0x200, s25;
	[sflag:s14] =	ssyncadd.s32 $0xFFFFF000  }
0x27: {  	[hbm4b:s11+s2] =	stream.linear.scatter [tilespmem:s24], [sflag:s31], $0x1000, $0x38;
	[tilespmem:$0x4200] =	vst v63  }
0x28: {  	s25 =	sadd.s32 $0x10, s10;
	s23 =	simm.s32 $0x2;
	s24 =	sadd.s32 $0x200, s11  }
.LBB2_2:
0x29: {  	[tilespmem:s28], [sflag:s29] =	stream.linear.gather @!p1 [hbm4b:s26+s30], $0x80, $0x38;
	[tilespmem:$0x4200] =	vst v63  }
0x2a: {  	s28 =	sand.u32 $0x3, s23;
	s26 =	smov.u32 s23;
	s23 =	sadd.s32 $0x1, s23  }
0x2b: {  	s29 =	sadd.s32 $0x1, s28;
	s30 =	sshll.u32 s28, $0xC;
	p0 =	sne.s32 s23, $0x68  }
0x2c: {  	s0 =	smov.u32 s24;
	s31 =	sadd.s32 $0xFFFFFFFF, s26;
	_ =	swait.ge [sflag:s29], $0x80  }
0x2d: {  	s1 =	sand.u32 $0x3, s31;
	p1 =	slt.u32 s31, $0x3;
	[sflag:s29] =	ssyncset.done $0x0  }
0x2e: {  	s13 =	sshll.u32 s1, $0xC;
	[sflag:s29] =	ssyncadd.s32 $0xFFFFFF80;
	s29 =	sadd.s32 @!p1 $0x9, s28  }
0x2f: {  	s26 =	smov.u32 s25;
	_ =	swait.ge @!p1 [sflag:s29], $0x1000  }
0x30: {  	s14 =	sshll.u32 s28, $0x7;
	s28 =	sadd.s32 $0x5, s28;
	[sflag:s29] =	ssyncset.done @!p1 $0x0  }
0x31: {  	[sflag:s29] =	ssyncadd.s32 @!p1 $0xFFFFF000;
	s29 =	sor.u32 $0x200, s30;
	s30 =	sadd.s32 $0x5, s1  }
0x32: {  	[tilespmem:s29], [sflag:s28] =	stream.indirect.gather [hbm4b:s3+s12], $0x20, s14, s12, $0xb8;
	[tilespmem:$0x4200] =	vst v63  }
.Ltmp0:
0x33: {  	s24 =	sadd.s32 $0x200, s24;
	_ =	swait.ge [sflag:s30], $0x1000;
	(pc) =	sbr.rel @p0 .LBB2_2-.Ltmp0, $4  }
0x34: {  	s25 =	sadd.s32 $0x10, s25;
	p1 =	sgt.u32 s31, $0x63;
	[sflag:s30] =	ssyncset.done $0x0  }
0x35: {  	s13 =	sor.u32 $0x200, s13;
	s14 =	sadd.s32 $0x9, s1;
	[sflag:s30] =	ssyncadd.s32 $0xFFFFF000  }
0x36: {  	[hbm4b:s0+s2] =	stream.linear.scatter [tilespmem:s13], [sflag:s14], $0x1000, $0x38;
	[tilespmem:$0x4200] =	vst v63  }
0x37: {  	s28 =	sshll.u32 @!p1 s1, $0x7;
	s29 =	sadd.s32 @!p1 $0x1, s1;
	s30 =	simm.s32 @!p1 $0x0  }
0x38: {  	[tilespmem:s28], [sflag:s29] =	stream.linear.gather @!p1 [hbm4b:s26+s30], $0x80, $0x38;
	[tilespmem:$0x4200] =	vst v63  }
0x39: {  	_ =	swait.ge [sflag:s16], $0x1000  }
0x3a: {  	[sflag:s16] =	ssyncset.done $0x0  }
0x3b: {  	[sflag:s16] =	ssyncadd.s32 $0xFFFFF000  }
0x3c: {  	[hbm4b:s9+s2] =	stream.linear.scatter [tilespmem:s17], [sflag:$0xC], $0x1000, $0x38;
	[tilespmem:$0x4200] =	vst v63  }
0x3d: {  	_ =	swait.ge [sflag:s18], $0x1000  }
0x3e: {  	[sflag:s18] =	ssyncset.done $0x0  }
0x3f: {  	[sflag:s18] =	ssyncadd.s32 $0xFFFFF000  }
0x40: {  	_ =	swait.ge [sflag:s19], $0x1000  }
0x41: {  	[sflag:s19] =	ssyncset.done $0x0  }
0x42: {  	s22 =	sadd.s32 $0x1, s22;
	[sflag:s19] =	ssyncadd.s32 $0xFFFFF000  }
0x43: {  	p0 =	sne.s32 s22, s8;
	_ =	swait.ge [sflag:s20], $0x1000  }
.Ltmp1:
0x44: {  	[sflag:s20] =	ssyncset.done $0x0;
	(pc) =	sbr.rel @p0 .LBB2_1-.Ltmp1, $4  }
0x45: {  	[sflag:s20] =	ssyncadd.s32 $0xFFFFF000  }
0x46: {  	_ =	swait.ge [sflag:s21], $0x1000  }
0x47: {  	[sflag:s21] =	ssyncset.done $0x0  }
0x48: {  	[sflag:s21] =	ssyncadd.s32 $0xFFFFF000  }
0x49: {  	_ =	sfence.sel $0x180000  }
0x4a: {  	[bflag:$0x0] =	sbarrier.arrive $0xFFFF  }
0x4b: {  	_ =	strace $0x90000047  }
0x4c: {  	s0 =	stileid.u32;
	[bflag:$0x2] =	sbarrier.arrive $0xFFFF  }
0x4d: {  	p0 =	sne.s32 s0, $0x0;
	s0 =	rddreg [dreg:$0x1]  }
0x4e: {  	s0 =	sadd.s32 @!p0 $0x100000, s0  }
0x4f: {  	[sflag:s0] =	ssyncadd.tile.s32 @!p0 $0x1;
	_ =	shalt  }
.Lfunc_end2:
_tile_overlayer_lowered:
.L_overlay_start_2:
0x50: {  	(tag) =	ssettag $0x2  }
0x51: {  	s0 =	rddreg [dreg:$0x0];
	s2 =	stileid.u32  }
0x52: {  	s1 =	rddreg [dreg:$0x1];
	p0 =	sne.s32 s2, $0x0  }
0x53: {  	s3 =	rddreg [dreg:$0x2];
	[bflag:$0x3] =	sbarrier.arrive $0xFFFF;
	s2 =	simm.s32 @!p0 $0x1C0D  }
0x54: {  	[timem:s3], [sflag:s2] =	dma.local @!p0 [hbm:s0], s1  }
0x55: {  	s0 =	simm.s32 @!p0 $0xD  }
0x56: {  	_ =	swait.ge @!p0 [sflag:s0], s1  }
0x57: {  	s1 =	ssub.s32 @!p0 $0x0, s1;
	[sflag:s0] =	ssyncset.done @!p0 $0x0  }
0x58: {  	[sflag:s0] =	ssyncadd.s32 @!p0 s1  }
0x59: {  	[bflag:$0x3] =	sbarrier.arrive $0xFFFF  }
0x5a: {  	_ =	shalt  }

</sc_bundles>
